<compile_context>
chip_gen: v7x
topology: tpu7x:2x2x1
jax: 0.10.2.dev20260603
libtpu: 0.0.44.dev20260713+nightly
codegen_flags: <defaults>
</compile_context>

<pallas_src>
import functools

import jax
import jax.numpy as jnp
from jax import lax
from jax.experimental import pallas as pl
from jax.experimental.pallas import tpu as pltpu
from jax.experimental.pallas import tpu_sc as plsc

VOCAB = 1000000
EMBED_DIM = 64
BATCH = 4096
SEQ = 200

NC = 2
NS = 16
NW = NC * NS

ROWS_PER_W = BATCH // NW
ROWS_PER_CHUNK = 2
NBUF = 4
N_CHUNKS = ROWS_PER_W // ROWS_PER_CHUNK
N_STEADY = N_CHUNKS // NBUF - 1

SPLITS = ((0, 128), (128, SEQ - 128))

@functools.partial(
    pl.kernel,
    out_type=jax.ShapeDtypeStruct((BATCH * SEQ, 2 * EMBED_DIM), jnp.float32),
    mesh=plsc.VectorSubcoreMesh(core_axis_name="c", subcore_axis_name="s"),
    scratch_types=[
        pltpu.VMEM((ROWS_PER_W, SEQ), jnp.int32),
        pltpu.VMEM((NBUF, ROWS_PER_CHUNK * SEQ, EMBED_DIM), jnp.float32),
        [pltpu.SemaphoreType.DMA] * NBUF,
        [pltpu.SemaphoreType.DMA] * NBUF,
    ],
    compiler_params=pltpu.CompilerParams(use_tc_tiling_on_sc=False),
)
def _gather_sc(table_hbm, idx_hbm, out_hbm, idx_all, rows_v, gsems, wsems):
    wid = lax.axis_index("s") * NC + lax.axis_index("c")
    base = wid * ROWS_PER_W

    pltpu.sync_copy(idx_hbm.at[pl.ds(base, ROWS_PER_W)], idx_all)

    def start_gather(c, b):
        for k in range(ROWS_PER_CHUNK):
            r = c * ROWS_PER_CHUNK + k
            for off, n in SPLITS:
                pltpu.async_copy(
                    table_hbm.at[idx_all.at[r, pl.ds(off, n)]],
                    rows_v.at[b, pl.ds(k * SEQ + off, n)],
                    gsems[b],
                )

    def wait_gather(b):
        pltpu.make_async_copy(
            out_hbm.at[pl.ds(0, ROWS_PER_CHUNK * SEQ), pl.ds(0, EMBED_DIM)],
            rows_v.at[b],
            gsems[b],
        ).wait()

    def start_write(c, b):
        pltpu.async_copy(
            rows_v.at[b],
            out_hbm.at[
                pl.ds((base + c * ROWS_PER_CHUNK) * SEQ, ROWS_PER_CHUNK * SEQ),
                pl.ds(0, EMBED_DIM),
            ],
            wsems[b],
        )

    def wait_write(b):
        pltpu.make_async_copy(
            rows_v.at[b],
            out_hbm.at[pl.ds(0, ROWS_PER_CHUNK * SEQ), pl.ds(0, EMBED_DIM)],
            wsems[b],
        ).wait()

    for b in range(NBUF):
        start_gather(b, b)

    def steady(p, carry):
        c0 = p * NBUF
        for b in range(NBUF):
            wait_gather(b)
            start_write(c0 + b, b)
        for b in range(NBUF):
            wait_write(b)
            start_gather(c0 + NBUF + b, b)
        return carry

    lax.fori_loop(0, N_STEADY, steady, 0)

    for b in range(NBUF):
        wait_gather(b)
        start_write(N_CHUNKS - NBUF + b, b)
    for b in range(NBUF):
        wait_write(b)


def kernel(input, table):
    out = _gather_sc(table, input)
    return out.reshape(BATCH, SEQ, 2 * EMBED_DIM)[:, :, :EMBED_DIM]

# --- scband reference (transcript-rebuilt; emitter-appended) ---
"""Pipeline reference for scband-raw-embedding-layer-13494787244804 (READ-ONLY COPY).

The authoritative reference and input builder live on the scoring server;
editing this copy changes nothing except your own understanding.
"""

import jax, jax.numpy as jnp
import numpy as np

VOCAB = 1000000
EMBED_DIM = 64
BATCH = 4096
SEQ = 200

def setup_inputs(seed: int = 0) -> dict:
    key = jax.random.key(seed)
    k1, k2 = jax.random.split(key)
    input_ids = jax.random.randint(k1, (BATCH, SEQ), 0, VOCAB, dtype=jnp.int64 if jax.config.read('jax_enable_x64') else jnp.int32)
    table = jax.random.normal(k2, (VOCAB, EMBED_DIM), dtype=jnp.float32)
    return {"input": input_ids, "table": table}

def reference(input, table):
    # nn.Embedding lookup
    embedded_words = jnp.take(table, input, axis=0)
    # dropout is identity in eval mode
    final_embeddings = embedded_words
    return final_embeddings

if __name__ == "__main__":
    import jax
    _d = setup_inputs()
    print(jax.jit(kernel)(*tuple(_d.values())))

</pallas_src>

<mosaic_0001>
#map = affine_map<(d0, d1) -> (0, 0)>
module attributes {stable_mosaic.version = 14 : i64} {
  func.func @_gather_sc(%arg0: i32, %arg1: i32, %arg2: memref<1000000x64xf32, #tpu.memory_space<hbm>>, %arg3: memref<4096x200xi32, #tpu.memory_space<hbm>>, %arg4: memref<819200x128xf32, #tpu.memory_space<hbm>>, %arg5: memref<128x200xi32, #tpu.memory_space<vmem>>, %arg6: memref<4x400x64xf32, #tpu.memory_space<vmem>>, %arg7: memref<!tpu.dma_semaphore, #tpu.memory_space<semaphore_mem>>, %arg8: memref<!tpu.dma_semaphore, #tpu.memory_space<semaphore_mem>>, %arg9: memref<!tpu.dma_semaphore, #tpu.memory_space<semaphore_mem>>, %arg10: memref<!tpu.dma_semaphore, #tpu.memory_space<semaphore_mem>>, %arg11: memref<!tpu.dma_semaphore, #tpu.memory_space<semaphore_mem>>, %arg12: memref<!tpu.dma_semaphore, #tpu.memory_space<semaphore_mem>>, %arg13: memref<!tpu.dma_semaphore, #tpu.memory_space<semaphore_mem>>, %arg14: memref<!tpu.dma_semaphore, #tpu.memory_space<semaphore_mem>>) attributes {dimension_semantics = [#tpu.dimension_semantics<core_parallel>, #tpu.dimension_semantics<subcore_parallel>], iteration_bounds = array<i64: 2, 16>, scalar_prefetch = 0 : i64, scratch_operands = 10 : i64, tpu.core_type = #tpu.core_type<sc_vector_subcore>, window_params = [{transform_indices = #map}, {transform_indices = #map}, {transform_indices = #map}]} {
    %mul3A = arith.constant 2 : i32
    %mul3A_0 = arith.muli %arg1, %mul3A : i32
    %add3A = arith.addi %mul3A_0, %arg0 : i32
    %mul3A_1 = arith.constant 128 : i32
    %mul3A_2 = arith.muli %add3A, %mul3A_1 : i32
    "tpu.region"() ({
      %run_scoped3A = tpu.sem_alloc : memref<!tpu.dma_semaphore, #tpu.memory_space<semaphore_mem>>
      %dma_start3A_386 = arith.constant 0 : i32
      %dma_start3A_387 = tpu.memref_slice %arg3[%mul3A_2, %dma_start3A_386] : memref<4096x200xi32, #tpu.memory_space<hbm>> -> memref<128x200xi32, #tpu.memory_space<hbm>>
      %dma_start3A_388 = arith.constant 0 : i32
      %dma_start3A_389 = tpu.memref_slice %arg3[%mul3A_2, %dma_start3A_388] : memref<4096x200xi32, #tpu.memory_space<hbm>> -> memref<128x200xi32, #tpu.memory_space<hbm>>
      tpu.enqueue_dma source(%dma_start3A_389 : memref<128x200xi32, #tpu.memory_space<hbm>>) target(%arg5 : memref<128x200xi32, #tpu.memory_space<vmem>>) target_semaphore(%run_scoped3A : memref<!tpu.dma_semaphore, #tpu.memory_space<semaphore_mem>>)
      %dma_wait3A_390 = arith.constant 0 : i32
      %dma_wait3A_391 = tpu.memref_slice %arg3[%mul3A_2, %dma_wait3A_390] : memref<4096x200xi32, #tpu.memory_space<hbm>> -> memref<128x200xi32, #tpu.memory_space<hbm>>
      %dma_wait3A_392 = arith.constant 0 : i32
      %dma_wait3A_393 = tpu.memref_slice %arg3[%mul3A_2, %dma_wait3A_392] : memref<4096x200xi32, #tpu.memory_space<hbm>> -> memref<128x200xi32, #tpu.memory_space<hbm>>
      tpu.wait_dma2 semaphore(%run_scoped3A : memref<!tpu.dma_semaphore, #tpu.memory_space<semaphore_mem>>) src(%dma_wait3A_393 : memref<128x200xi32, #tpu.memory_space<hbm>>) dst(%arg5 : memref<128x200xi32, #tpu.memory_space<vmem>>)
      tpu.yield
    }) : () -> ()
    %dma_start3A = arith.constant 0 : i32
    %dma_start3A_3 = arith.constant 0 : i32
    %dma_start3A_4 = arith.constant 0 : i32
    %dma_start3A_5 = arith.constant 0 : i32
    %dma_start3A_6 = tpu.memref_slice %arg6[%dma_start3A_3, %dma_start3A_4, %dma_start3A_5] : memref<4x400x64xf32, #tpu.memory_space<vmem>> -> memref<1x128x64xf32, #tpu.memory_space<vmem>>
    %dma_start3A_7 = tpu.memref_squeeze %dma_start3A_6 : memref<1x128x64xf32, #tpu.memory_space<vmem>> -> memref<128x64xf32, #tpu.memory_space<vmem>>
    %dma_start3A_8 = arith.constant 0 : i32
    %dma_start3A_9 = tpu.memref_slice %arg5[%dma_start3A, %dma_start3A_8] : memref<128x200xi32, #tpu.memory_space<vmem>> -> memref<1x128xi32, #tpu.memory_space<vmem>>
    %dma_start3A_10 = tpu.memref_squeeze %dma_start3A_9 : memref<1x128xi32, #tpu.memory_space<vmem>> -> memref<128xi32, #tpu.memory_space<vmem>>
    %dma_start3A_11 = arith.constant 0 : i32
    %dma_start3A_12 = arith.constant 0 : i32
    %dma_start3A_13 = tpu.memref_slice %arg2[%dma_start3A_11, %dma_start3A_12] : memref<1000000x64xf32, #tpu.memory_space<hbm>> -> memref<1000000x64xf32, #tpu.memory_space<hbm>>
    tpu.enqueue_indirect_dma source(%dma_start3A_13 : memref<1000000x64xf32, #tpu.memory_space<hbm>>) target(%dma_start3A_7 : memref<128x64xf32, #tpu.memory_space<vmem>>) offsets(%dma_start3A_10 : memref<128xi32, #tpu.memory_space<vmem>>) semaphore(%arg7 : memref<!tpu.dma_semaphore, #tpu.memory_space<semaphore_mem>>)
    %dma_start3A_14 = arith.constant 0 : i32
    %dma_start3A_15 = arith.constant 0 : i32
    %dma_start3A_16 = arith.constant 128 : i32
    %dma_start3A_17 = arith.constant 0 : i32
    %dma_start3A_18 = tpu.memref_slice %arg6[%dma_start3A_15, %dma_start3A_16, %dma_start3A_17] : memref<4x400x64xf32, #tpu.memory_space<vmem>> -> memref<1x72x64xf32, #tpu.memory_space<vmem>>
    %dma_start3A_19 = tpu.memref_squeeze %dma_start3A_18 : memref<1x72x64xf32, #tpu.memory_space<vmem>> -> memref<72x64xf32, #tpu.memory_space<vmem>>
    %dma_start3A_20 = arith.constant 128 : i32
    %dma_start3A_21 = tpu.memref_slice %arg5[%dma_start3A_14, %dma_start3A_20] : memref<128x200xi32, #tpu.memory_space<vmem>> -> memref<1x72xi32, #tpu.memory_space<vmem>>
    %dma_start3A_22 = tpu.memref_squeeze %dma_start3A_21 : memref<1x72xi32, #tpu.memory_space<vmem>> -> memref<72xi32, #tpu.memory_space<vmem>>
    %dma_start3A_23 = arith.constant 0 : i32
    %dma_start3A_24 = arith.constant 0 : i32
    %dma_start3A_25 = tpu.memref_slice %arg2[%dma_start3A_23, %dma_start3A_24] : memref<1000000x64xf32, #tpu.memory_space<hbm>> -> memref<1000000x64xf32, #tpu.memory_space<hbm>>
    tpu.enqueue_indirect_dma source(%dma_start3A_25 : memref<1000000x64xf32, #tpu.memory_space<hbm>>) target(%dma_start3A_19 : memref<72x64xf32, #tpu.memory_space<vmem>>) offsets(%dma_start3A_22 : memref<72xi32, #tpu.memory_space<vmem>>) semaphore(%arg7 : memref<!tpu.dma_semaphore, #tpu.memory_space<semaphore_mem>>)
    %dma_start3A_26 = arith.constant 1 : i32
    %dma_start3A_27 = arith.constant 0 : i32
    %dma_start3A_28 = arith.constant 200 : i32
    %dma_start3A_29 = arith.constant 0 : i32
    %dma_start3A_30 = tpu.memref_slice %arg6[%dma_start3A_27, %dma_start3A_28, %dma_start3A_29] : memref<4x400x64xf32, #tpu.memory_space<vmem>> -> memref<1x128x64xf32, #tpu.memory_space<vmem>>
    %dma_start3A_31 = tpu.memref_squeeze %dma_start3A_30 : memref<1x128x64xf32, #tpu.memory_space<vmem>> -> memref<128x64xf32, #tpu.memory_space<vmem>>
    %dma_start3A_32 = arith.constant 0 : i32
    %dma_start3A_33 = tpu.memref_slice %arg5[%dma_start3A_26, %dma_start3A_32] : memref<128x200xi32, #tpu.memory_space<vmem>> -> memref<1x128xi32, #tpu.memory_space<vmem>>
    %dma_start3A_34 = tpu.memref_squeeze %dma_start3A_33 : memref<1x128xi32, #tpu.memory_space<vmem>> -> memref<128xi32, #tpu.memory_space<vmem>>
    %dma_start3A_35 = arith.constant 0 : i32
    %dma_start3A_36 = arith.constant 0 : i32
    %dma_start3A_37 = tpu.memref_slice %arg2[%dma_start3A_35, %dma_start3A_36] : memref<1000000x64xf32, #tpu.memory_space<hbm>> -> memref<1000000x64xf32, #tpu.memory_space<hbm>>
    tpu.enqueue_indirect_dma source(%dma_start3A_37 : memref<1000000x64xf32, #tpu.memory_space<hbm>>) target(%dma_start3A_31 : memref<128x64xf32, #tpu.memory_space<vmem>>) offsets(%dma_start3A_34 : memref<128xi32, #tpu.memory_space<vmem>>) semaphore(%arg7 : memref<!tpu.dma_semaphore, #tpu.memory_space<semaphore_mem>>)
    %dma_start3A_38 = arith.constant 1 : i32
    %dma_start3A_39 = arith.constant 0 : i32
    %dma_start3A_40 = arith.constant 328 : i32
    %dma_start3A_41 = arith.constant 0 : i32
    %dma_start3A_42 = tpu.memref_slice %arg6[%dma_start3A_39, %dma_start3A_40, %dma_start3A_41] : memref<4x400x64xf32, #tpu.memory_space<vmem>> -> memref<1x72x64xf32, #tpu.memory_space<vmem>>
    %dma_start3A_43 = tpu.memref_squeeze %dma_start3A_42 : memref<1x72x64xf32, #tpu.memory_space<vmem>> -> memref<72x64xf32, #tpu.memory_space<vmem>>
    %dma_start3A_44 = arith.constant 128 : i32
    %dma_start3A_45 = tpu.memref_slice %arg5[%dma_start3A_38, %dma_start3A_44] : memref<128x200xi32, #tpu.memory_space<vmem>> -> memref<1x72xi32, #tpu.memory_space<vmem>>
    %dma_start3A_46 = tpu.memref_squeeze %dma_start3A_45 : memref<1x72xi32, #tpu.memory_space<vmem>> -> memref<72xi32, #tpu.memory_space<vmem>>
    %dma_start3A_47 = arith.constant 0 : i32
    %dma_start3A_48 = arith.constant 0 : i32
    %dma_start3A_49 = tpu.memref_slice %arg2[%dma_start3A_47, %dma_start3A_48] : memref<1000000x64xf32, #tpu.memory_space<hbm>> -> memref<1000000x64xf32, #tpu.memory_space<hbm>>
    tpu.enqueue_indirect_dma source(%dma_start3A_49 : memref<1000000x64xf32, #tpu.memory_space<hbm>>) target(%dma_start3A_43 : memref<72x64xf32, #tpu.memory_space<vmem>>) offsets(%dma_start3A_46 : memref<72xi32, #tpu.memory_space<vmem>>) semaphore(%arg7 : memref<!tpu.dma_semaphore, #tpu.memory_space<semaphore_mem>>)
    %dma_start3A_50 = arith.constant 2 : i32
    %dma_start3A_51 = arith.constant 1 : i32
    %dma_start3A_52 = arith.constant 0 : i32
    %dma_start3A_53 = arith.constant 0 : i32
    %dma_start3A_54 = tpu.memref_slice %arg6[%dma_start3A_51, %dma_start3A_52, %dma_start3A_53] : memref<4x400x64xf32, #tpu.memory_space<vmem>> -> memref<1x128x64xf32, #tpu.memory_space<vmem>>
    %dma_start3A_55 = tpu.memref_squeeze %dma_start3A_54 : memref<1x128x64xf32, #tpu.memory_space<vmem>> -> memref<128x64xf32, #tpu.memory_space<vmem>>
    %dma_start3A_56 = arith.constant 0 : i32
    %dma_start3A_57 = tpu.memref_slice %arg5[%dma_start3A_50, %dma_start3A_56] : memref<128x200xi32, #tpu.memory_space<vmem>> -> memref<1x128xi32, #tpu.memory_space<vmem>>
    %dma_start3A_58 = tpu.memref_squeeze %dma_start3A_57 : memref<1x128xi32, #tpu.memory_space<vmem>> -> memref<128xi32, #tpu.memory_space<vmem>>
    %dma_start3A_59 = arith.constant 0 : i32
    %dma_start3A_60 = arith.constant 0 : i32
    %dma_start3A_61 = tpu.memref_slice %arg2[%dma_start3A_59, %dma_start3A_60] : memref<1000000x64xf32, #tpu.memory_space<hbm>> -> memref<1000000x64xf32, #tpu.memory_space<hbm>>
    tpu.enqueue_indirect_dma source(%dma_start3A_61 : memref<1000000x64xf32, #tpu.memory_space<hbm>>) target(%dma_start3A_55 : memref<128x64xf32, #tpu.memory_space<vmem>>) offsets(%dma_start3A_58 : memref<128xi32, #tpu.memory_space<vmem>>) semaphore(%arg8 : memref<!tpu.dma_semaphore, #tpu.memory_space<semaphore_mem>>)
    %dma_start3A_62 = arith.constant 2 : i32
    %dma_start3A_63 = arith.constant 1 : i32
    %dma_start3A_64 = arith.constant 128 : i32
    %dma_start3A_65 = arith.constant 0 : i32
    %dma_start3A_66 = tpu.memref_slice %arg6[%dma_start3A_63, %dma_start3A_64, %dma_start3A_65] : memref<4x400x64xf32, #tpu.memory_space<vmem>> -> memref<1x72x64xf32, #tpu.memory_space<vmem>>
    %dma_start3A_67 = tpu.memref_squeeze %dma_start3A_66 : memref<1x72x64xf32, #tpu.memory_space<vmem>> -> memref<72x64xf32, #tpu.memory_space<vmem>>
    %dma_start3A_68 = arith.constant 128 : i32
    %dma_start3A_69 = tpu.memref_slice %arg5[%dma_start3A_62, %dma_start3A_68] : memref<128x200xi32, #tpu.memory_space<vmem>> -> memref<1x72xi32, #tpu.memory_space<vmem>>
    %dma_start3A_70 = tpu.memref_squeeze %dma_start3A_69 : memref<1x72xi32, #tpu.memory_space<vmem>> -> memref<72xi32, #tpu.memory_space<vmem>>
    %dma_start3A_71 = arith.constant 0 : i32
    %dma_start3A_72 = arith.constant 0 : i32
    %dma_start3A_73 = tpu.memref_slice %arg2[%dma_start3A_71, %dma_start3A_72] : memref<1000000x64xf32, #tpu.memory_space<hbm>> -> memref<1000000x64xf32, #tpu.memory_space<hbm>>
    tpu.enqueue_indirect_dma source(%dma_start3A_73 : memref<1000000x64xf32, #tpu.memory_space<hbm>>) target(%dma_start3A_67 : memref<72x64xf32, #tpu.memory_space<vmem>>) offsets(%dma_start3A_70 : memref<72xi32, #tpu.memory_space<vmem>>) semaphore(%arg8 : memref<!tpu.dma_semaphore, #tpu.memory_space<semaphore_mem>>)
    %dma_start3A_74 = arith.constant 3 : i32
    %dma_start3A_75 = arith.constant 1 : i32
    %dma_start3A_76 = arith.constant 200 : i32
    %dma_start3A_77 = arith.constant 0 : i32
    %dma_start3A_78 = tpu.memref_slice %arg6[%dma_start3A_75, %dma_start3A_76, %dma_start3A_77] : memref<4x400x64xf32, #tpu.memory_space<vmem>> -> memref<1x128x64xf32, #tpu.memory_space<vmem>>
    %dma_start3A_79 = tpu.memref_squeeze %dma_start3A_78 : memref<1x128x64xf32, #tpu.memory_space<vmem>> -> memref<128x64xf32, #tpu.memory_space<vmem>>
    %dma_start3A_80 = arith.constant 0 : i32
    %dma_start3A_81 = tpu.memref_slice %arg5[%dma_start3A_74, %dma_start3A_80] : memref<128x200xi32, #tpu.memory_space<vmem>> -> memref<1x128xi32, #tpu.memory_space<vmem>>
    %dma_start3A_82 = tpu.memref_squeeze %dma_start3A_81 : memref<1x128xi32, #tpu.memory_space<vmem>> -> memref<128xi32, #tpu.memory_space<vmem>>
    %dma_start3A_83 = arith.constant 0 : i32
    %dma_start3A_84 = arith.constant 0 : i32
    %dma_start3A_85 = tpu.memref_slice %arg2[%dma_start3A_83, %dma_start3A_84] : memref<1000000x64xf32, #tpu.memory_space<hbm>> -> memref<1000000x64xf32, #tpu.memory_space<hbm>>
    tpu.enqueue_indirect_dma source(%dma_start3A_85 : memref<1000000x64xf32, #tpu.memory_space<hbm>>) target(%dma_start3A_79 : memref<128x64xf32, #tpu.memory_space<vmem>>) offsets(%dma_start3A_82 : memref<128xi32, #tpu.memory_space<vmem>>) semaphore(%arg8 : memref<!tpu.dma_semaphore, #tpu.memory_space<semaphore_mem>>)
    %dma_start3A_86 = arith.constant 3 : i32
    %dma_start3A_87 = arith.constant 1 : i32
    %dma_start3A_88 = arith.constant 328 : i32
    %dma_start3A_89 = arith.constant 0 : i32
    %dma_start3A_90 = tpu.memref_slice %arg6[%dma_start3A_87, %dma_start3A_88, %dma_start3A_89] : memref<4x400x64xf32, #tpu.memory_space<vmem>> -> memref<1x72x64xf32, #tpu.memory_space<vmem>>
    %dma_start3A_91 = tpu.memref_squeeze %dma_start3A_90 : memref<1x72x64xf32, #tpu.memory_space<vmem>> -> memref<72x64xf32, #tpu.memory_space<vmem>>
    %dma_start3A_92 = arith.constant 128 : i32
    %dma_start3A_93 = tpu.memref_slice %arg5[%dma_start3A_86, %dma_start3A_92] : memref<128x200xi32, #tpu.memory_space<vmem>> -> memref<1x72xi32, #tpu.memory_space<vmem>>
    %dma_start3A_94 = tpu.memref_squeeze %dma_start3A_93 : memref<1x72xi32, #tpu.memory_space<vmem>> -> memref<72xi32, #tpu.memory_space<vmem>>
    %dma_start3A_95 = arith.constant 0 : i32
    %dma_start3A_96 = arith.constant 0 : i32
    %dma_start3A_97 = tpu.memref_slice %arg2[%dma_start3A_95, %dma_start3A_96] : memref<1000000x64xf32, #tpu.memory_space<hbm>> -> memref<1000000x64xf32, #tpu.memory_space<hbm>>
    tpu.enqueue_indirect_dma source(%dma_start3A_97 : memref<1000000x64xf32, #tpu.memory_space<hbm>>) target(%dma_start3A_91 : memref<72x64xf32, #tpu.memory_space<vmem>>) offsets(%dma_start3A_94 : memref<72xi32, #tpu.memory_space<vmem>>) semaphore(%arg8 : memref<!tpu.dma_semaphore, #tpu.memory_space<semaphore_mem>>)
    %dma_start3A_98 = arith.constant 4 : i32
    %dma_start3A_99 = arith.constant 2 : i32
    %dma_start3A_100 = arith.constant 0 : i32
    %dma_start3A_101 = arith.constant 0 : i32
    %dma_start3A_102 = tpu.memref_slice %arg6[%dma_start3A_99, %dma_start3A_100, %dma_start3A_101] : memref<4x400x64xf32, #tpu.memory_space<vmem>> -> memref<1x128x64xf32, #tpu.memory_space<vmem>>
    %dma_start3A_103 = tpu.memref_squeeze %dma_start3A_102 : memref<1x128x64xf32, #tpu.memory_space<vmem>> -> memref<128x64xf32, #tpu.memory_space<vmem>>
    %dma_start3A_104 = arith.constant 0 : i32
    %dma_start3A_105 = tpu.memref_slice %arg5[%dma_start3A_98, %dma_start3A_104] : memref<128x200xi32, #tpu.memory_space<vmem>> -> memref<1x128xi32, #tpu.memory_space<vmem>>
    %dma_start3A_106 = tpu.memref_squeeze %dma_start3A_105 : memref<1x128xi32, #tpu.memory_space<vmem>> -> memref<128xi32, #tpu.memory_space<vmem>>
    %dma_start3A_107 = arith.constant 0 : i32
    %dma_start3A_108 = arith.constant 0 : i32
    %dma_start3A_109 = tpu.memref_slice %arg2[%dma_start3A_107, %dma_start3A_108] : memref<1000000x64xf32, #tpu.memory_space<hbm>> -> memref<1000000x64xf32, #tpu.memory_space<hbm>>
    tpu.enqueue_indirect_dma source(%dma_start3A_109 : memref<1000000x64xf32, #tpu.memory_space<hbm>>) target(%dma_start3A_103 : memref<128x64xf32, #tpu.memory_space<vmem>>) offsets(%dma_start3A_106 : memref<128xi32, #tpu.memory_space<vmem>>) semaphore(%arg9 : memref<!tpu.dma_semaphore, #tpu.memory_space<semaphore_mem>>)
    %dma_start3A_110 = arith.constant 4 : i32
    %dma_start3A_111 = arith.constant 2 : i32
    %dma_start3A_112 = arith.constant 128 : i32
    %dma_start3A_113 = arith.constant 0 : i32
    %dma_start3A_114 = tpu.memref_slice %arg6[%dma_start3A_111, %dma_start3A_112, %dma_start3A_113] : memref<4x400x64xf32, #tpu.memory_space<vmem>> -> memref<1x72x64xf32, #tpu.memory_space<vmem>>
    %dma_start3A_115 = tpu.memref_squeeze %dma_start3A_114 : memref<1x72x64xf32, #tpu.memory_space<vmem>> -> memref<72x64xf32, #tpu.memory_space<vmem>>
    %dma_start3A_116 = arith.constant 128 : i32
    %dma_start3A_117 = tpu.memref_slice %arg5[%dma_start3A_110, %dma_start3A_116] : memref<128x200xi32, #tpu.memory_space<vmem>> -> memref<1x72xi32, #tpu.memory_space<vmem>>
    %dma_start3A_118 = tpu.memref_squeeze %dma_start3A_117 : memref<1x72xi32, #tpu.memory_space<vmem>> -> memref<72xi32, #tpu.memory_space<vmem>>
    %dma_start3A_119 = arith.constant 0 : i32
    %dma_start3A_120 = arith.constant 0 : i32
    %dma_start3A_121 = tpu.memref_slice %arg2[%dma_start3A_119, %dma_start3A_120] : memref<1000000x64xf32, #tpu.memory_space<hbm>> -> memref<1000000x64xf32, #tpu.memory_space<hbm>>
    tpu.enqueue_indirect_dma source(%dma_start3A_121 : memref<1000000x64xf32, #tpu.memory_space<hbm>>) target(%dma_start3A_115 : memref<72x64xf32, #tpu.memory_space<vmem>>) offsets(%dma_start3A_118 : memref<72xi32, #tpu.memory_space<vmem>>) semaphore(%arg9 : memref<!tpu.dma_semaphore, #tpu.memory_space<semaphore_mem>>)
    %dma_start3A_122 = arith.constant 5 : i32
    %dma_start3A_123 = arith.constant 2 : i32
    %dma_start3A_124 = arith.constant 200 : i32
    %dma_start3A_125 = arith.constant 0 : i32
    %dma_start3A_126 = tpu.memref_slice %arg6[%dma_start3A_123, %dma_start3A_124, %dma_start3A_125] : memref<4x400x64xf32, #tpu.memory_space<vmem>> -> memref<1x128x64xf32, #tpu.memory_space<vmem>>
    %dma_start3A_127 = tpu.memref_squeeze %dma_start3A_126 : memref<1x128x64xf32, #tpu.memory_space<vmem>> -> memref<128x64xf32, #tpu.memory_space<vmem>>
    %dma_start3A_128 = arith.constant 0 : i32
    %dma_start3A_129 = tpu.memref_slice %arg5[%dma_start3A_122, %dma_start3A_128] : memref<128x200xi32, #tpu.memory_space<vmem>> -> memref<1x128xi32, #tpu.memory_space<vmem>>
    %dma_start3A_130 = tpu.memref_squeeze %dma_start3A_129 : memref<1x128xi32, #tpu.memory_space<vmem>> -> memref<128xi32, #tpu.memory_space<vmem>>
    %dma_start3A_131 = arith.constant 0 : i32
    %dma_start3A_132 = arith.constant 0 : i32
    %dma_start3A_133 = tpu.memref_slice %arg2[%dma_start3A_131, %dma_start3A_132] : memref<1000000x64xf32, #tpu.memory_space<hbm>> -> memref<1000000x64xf32, #tpu.memory_space<hbm>>
    tpu.enqueue_indirect_dma source(%dma_start3A_133 : memref<1000000x64xf32, #tpu.memory_space<hbm>>) target(%dma_start3A_127 : memref<128x64xf32, #tpu.memory_space<vmem>>) offsets(%dma_start3A_130 : memref<128xi32, #tpu.memory_space<vmem>>) semaphore(%arg9 : memref<!tpu.dma_semaphore, #tpu.memory_space<semaphore_mem>>)
    %dma_start3A_134 = arith.constant 5 : i32
    %dma_start3A_135 = arith.constant 2 : i32
    %dma_start3A_136 = arith.constant 328 : i32
    %dma_start3A_137 = arith.constant 0 : i32
    %dma_start3A_138 = tpu.memref_slice %arg6[%dma_start3A_135, %dma_start3A_136, %dma_start3A_137] : memref<4x400x64xf32, #tpu.memory_space<vmem>> -> memref<1x72x64xf32, #tpu.memory_space<vmem>>
    %dma_start3A_139 = tpu.memref_squeeze %dma_start3A_138 : memref<1x72x64xf32, #tpu.memory_space<vmem>> -> memref<72x64xf32, #tpu.memory_space<vmem>>
    %dma_start3A_140 = arith.constant 128 : i32
    %dma_start3A_141 = tpu.memref_slice %arg5[%dma_start3A_134, %dma_start3A_140] : memref<128x200xi32, #tpu.memory_space<vmem>> -> memref<1x72xi32, #tpu.memory_space<vmem>>
    %dma_start3A_142 = tpu.memref_squeeze %dma_start3A_141 : memref<1x72xi32, #tpu.memory_space<vmem>> -> memref<72xi32, #tpu.memory_space<vmem>>
    %dma_start3A_143 = arith.constant 0 : i32
    %dma_start3A_144 = arith.constant 0 : i32
    %dma_start3A_145 = tpu.memref_slice %arg2[%dma_start3A_143, %dma_start3A_144] : memref<1000000x64xf32, #tpu.memory_space<hbm>> -> memref<1000000x64xf32, #tpu.memory_space<hbm>>
    tpu.enqueue_indirect_dma source(%dma_start3A_145 : memref<1000000x64xf32, #tpu.memory_space<hbm>>) target(%dma_start3A_139 : memref<72x64xf32, #tpu.memory_space<vmem>>) offsets(%dma_start3A_142 : memref<72xi32, #tpu.memory_space<vmem>>) semaphore(%arg9 : memref<!tpu.dma_semaphore, #tpu.memory_space<semaphore_mem>>)
    %dma_start3A_146 = arith.constant 6 : i32
    %dma_start3A_147 = arith.constant 3 : i32
    %dma_start3A_148 = arith.constant 0 : i32
    %dma_start3A_149 = arith.constant 0 : i32
    %dma_start3A_150 = tpu.memref_slice %arg6[%dma_start3A_147, %dma_start3A_148, %dma_start3A_149] : memref<4x400x64xf32, #tpu.memory_space<vmem>> -> memref<1x128x64xf32, #tpu.memory_space<vmem>>
    %dma_start3A_151 = tpu.memref_squeeze %dma_start3A_150 : memref<1x128x64xf32, #tpu.memory_space<vmem>> -> memref<128x64xf32, #tpu.memory_space<vmem>>
    %dma_start3A_152 = arith.constant 0 : i32
    %dma_start3A_153 = tpu.memref_slice %arg5[%dma_start3A_146, %dma_start3A_152] : memref<128x200xi32, #tpu.memory_space<vmem>> -> memref<1x128xi32, #tpu.memory_space<vmem>>
    %dma_start3A_154 = tpu.memref_squeeze %dma_start3A_153 : memref<1x128xi32, #tpu.memory_space<vmem>> -> memref<128xi32, #tpu.memory_space<vmem>>
    %dma_start3A_155 = arith.constant 0 : i32
    %dma_start3A_156 = arith.constant 0 : i32
    %dma_start3A_157 = tpu.memref_slice %arg2[%dma_start3A_155, %dma_start3A_156] : memref<1000000x64xf32, #tpu.memory_space<hbm>> -> memref<1000000x64xf32, #tpu.memory_space<hbm>>
    tpu.enqueue_indirect_dma source(%dma_start3A_157 : memref<1000000x64xf32, #tpu.memory_space<hbm>>) target(%dma_start3A_151 : memref<128x64xf32, #tpu.memory_space<vmem>>) offsets(%dma_start3A_154 : memref<128xi32, #tpu.memory_space<vmem>>) semaphore(%arg10 : memref<!tpu.dma_semaphore, #tpu.memory_space<semaphore_mem>>)
    %dma_start3A_158 = arith.constant 6 : i32
    %dma_start3A_159 = arith.constant 3 : i32
    %dma_start3A_160 = arith.constant 128 : i32
    %dma_start3A_161 = arith.constant 0 : i32
    %dma_start3A_162 = tpu.memref_slice %arg6[%dma_start3A_159, %dma_start3A_160, %dma_start3A_161] : memref<4x400x64xf32, #tpu.memory_space<vmem>> -> memref<1x72x64xf32, #tpu.memory_space<vmem>>
    %dma_start3A_163 = tpu.memref_squeeze %dma_start3A_162 : memref<1x72x64xf32, #tpu.memory_space<vmem>> -> memref<72x64xf32, #tpu.memory_space<vmem>>
    %dma_start3A_164 = arith.constant 128 : i32
    %dma_start3A_165 = tpu.memref_slice %arg5[%dma_start3A_158, %dma_start3A_164] : memref<128x200xi32, #tpu.memory_space<vmem>> -> memref<1x72xi32, #tpu.memory_space<vmem>>
    %dma_start3A_166 = tpu.memref_squeeze %dma_start3A_165 : memref<1x72xi32, #tpu.memory_space<vmem>> -> memref<72xi32, #tpu.memory_space<vmem>>
    %dma_start3A_167 = arith.constant 0 : i32
    %dma_start3A_168 = arith.constant 0 : i32
    %dma_start3A_169 = tpu.memref_slice %arg2[%dma_start3A_167, %dma_start3A_168] : memref<1000000x64xf32, #tpu.memory_space<hbm>> -> memref<1000000x64xf32, #tpu.memory_space<hbm>>
    tpu.enqueue_indirect_dma source(%dma_start3A_169 : memref<1000000x64xf32, #tpu.memory_space<hbm>>) target(%dma_start3A_163 : memref<72x64xf32, #tpu.memory_space<vmem>>) offsets(%dma_start3A_166 : memref<72xi32, #tpu.memory_space<vmem>>) semaphore(%arg10 : memref<!tpu.dma_semaphore, #tpu.memory_space<semaphore_mem>>)
    %dma_start3A_170 = arith.constant 7 : i32
    %dma_start3A_171 = arith.constant 3 : i32
    %dma_start3A_172 = arith.constant 200 : i32
    %dma_start3A_173 = arith.constant 0 : i32
    %dma_start3A_174 = tpu.memref_slice %arg6[%dma_start3A_171, %dma_start3A_172, %dma_start3A_173] : memref<4x400x64xf32, #tpu.memory_space<vmem>> -> memref<1x128x64xf32, #tpu.memory_space<vmem>>
    %dma_start3A_175 = tpu.memref_squeeze %dma_start3A_174 : memref<1x128x64xf32, #tpu.memory_space<vmem>> -> memref<128x64xf32, #tpu.memory_space<vmem>>
    %dma_start3A_176 = arith.constant 0 : i32
    %dma_start3A_177 = tpu.memref_slice %arg5[%dma_start3A_170, %dma_start3A_176] : memref<128x200xi32, #tpu.memory_space<vmem>> -> memref<1x128xi32, #tpu.memory_space<vmem>>
    %dma_start3A_178 = tpu.memref_squeeze %dma_start3A_177 : memref<1x128xi32, #tpu.memory_space<vmem>> -> memref<128xi32, #tpu.memory_space<vmem>>
    %dma_start3A_179 = arith.constant 0 : i32
    %dma_start3A_180 = arith.constant 0 : i32
    %dma_start3A_181 = tpu.memref_slice %arg2[%dma_start3A_179, %dma_start3A_180] : memref<1000000x64xf32, #tpu.memory_space<hbm>> -> memref<1000000x64xf32, #tpu.memory_space<hbm>>
    tpu.enqueue_indirect_dma source(%dma_start3A_181 : memref<1000000x64xf32, #tpu.memory_space<hbm>>) target(%dma_start3A_175 : memref<128x64xf32, #tpu.memory_space<vmem>>) offsets(%dma_start3A_178 : memref<128xi32, #tpu.memory_space<vmem>>) semaphore(%arg10 : memref<!tpu.dma_semaphore, #tpu.memory_space<semaphore_mem>>)
    %dma_start3A_182 = arith.constant 7 : i32
    %dma_start3A_183 = arith.constant 3 : i32
    %dma_start3A_184 = arith.constant 328 : i32
    %dma_start3A_185 = arith.constant 0 : i32
    %dma_start3A_186 = tpu.memref_slice %arg6[%dma_start3A_183, %dma_start3A_184, %dma_start3A_185] : memref<4x400x64xf32, #tpu.memory_space<vmem>> -> memref<1x72x64xf32, #tpu.memory_space<vmem>>
    %dma_start3A_187 = tpu.memref_squeeze %dma_start3A_186 : memref<1x72x64xf32, #tpu.memory_space<vmem>> -> memref<72x64xf32, #tpu.memory_space<vmem>>
    %dma_start3A_188 = arith.constant 128 : i32
    %dma_start3A_189 = tpu.memref_slice %arg5[%dma_start3A_182, %dma_start3A_188] : memref<128x200xi32, #tpu.memory_space<vmem>> -> memref<1x72xi32, #tpu.memory_space<vmem>>
    %dma_start3A_190 = tpu.memref_squeeze %dma_start3A_189 : memref<1x72xi32, #tpu.memory_space<vmem>> -> memref<72xi32, #tpu.memory_space<vmem>>
    %dma_start3A_191 = arith.constant 0 : i32
    %dma_start3A_192 = arith.constant 0 : i32
    %dma_start3A_193 = tpu.memref_slice %arg2[%dma_start3A_191, %dma_start3A_192] : memref<1000000x64xf32, #tpu.memory_space<hbm>> -> memref<1000000x64xf32, #tpu.memory_space<hbm>>
    tpu.enqueue_indirect_dma source(%dma_start3A_193 : memref<1000000x64xf32, #tpu.memory_space<hbm>>) target(%dma_start3A_187 : memref<72x64xf32, #tpu.memory_space<vmem>>) offsets(%dma_start3A_190 : memref<72xi32, #tpu.memory_space<vmem>>) semaphore(%arg10 : memref<!tpu.dma_semaphore, #tpu.memory_space<semaphore_mem>>)
    %scan3A = arith.constant 0 : i32
    %scan3A_194 = arith.constant 0 : i32
    %scan3A_195 = arith.constant 15 : i32
    %scan3A_196 = arith.addi %scan3A_194, %scan3A_195 : i32
    %scan3A_197 = arith.constant 1 : i32
    scf.for %scan3A_386 = %scan3A_194 to %scan3A_196 step %scan3A_197  : i32 {
      %mul3A_387 = arith.constant 4 : i32
      %mul3A_388 = arith.muli %scan3A_386, %mul3A_387 : i32
      %dma_wait3A_389 = arith.constant 0 : i32
      %dma_wait3A_390 = arith.constant 0 : i32
      %dma_wait3A_391 = arith.constant 0 : i32
      %dma_wait3A_392 = tpu.memref_slice %arg6[%dma_wait3A_389, %dma_wait3A_390, %dma_wait3A_391] : memref<4x400x64xf32, #tpu.memory_space<vmem>> -> memref<1x400x64xf32, #tpu.memory_space<vmem>>
      %dma_wait3A_393 = tpu.memref_squeeze %dma_wait3A_392 : memref<1x400x64xf32, #tpu.memory_space<vmem>> -> memref<400x64xf32, #tpu.memory_space<vmem>>
      %dma_wait3A_394 = arith.constant 0 : i32
      %dma_wait3A_395 = arith.constant 0 : i32
      %dma_wait3A_396 = tpu.memref_slice %arg4[%dma_wait3A_394, %dma_wait3A_395] : memref<819200x128xf32, #tpu.memory_space<hbm>> -> memref<400x64xf32, #tpu.memory_space<hbm>>
      %dma_wait3A_397 = arith.constant 0 : i32
      %dma_wait3A_398 = arith.constant 0 : i32
      %dma_wait3A_399 = tpu.memref_slice %arg6[%dma_wait3A_389, %dma_wait3A_397, %dma_wait3A_398] : memref<4x400x64xf32, #tpu.memory_space<vmem>> -> memref<1x400x64xf32, #tpu.memory_space<vmem>>
      %dma_wait3A_400 = tpu.memref_squeeze %dma_wait3A_399 : memref<1x400x64xf32, #tpu.memory_space<vmem>> -> memref<400x64xf32, #tpu.memory_space<vmem>>
      %dma_wait3A_401 = arith.constant 0 : i32
      %dma_wait3A_402 = arith.constant 0 : i32
      %dma_wait3A_403 = tpu.memref_slice %arg4[%dma_wait3A_401, %dma_wait3A_402] : memref<819200x128xf32, #tpu.memory_space<hbm>> -> memref<400x64xf32, #tpu.memory_space<hbm>>
      tpu.wait_dma2 semaphore(%arg7 : memref<!tpu.dma_semaphore, #tpu.memory_space<semaphore_mem>>) src(%dma_wait3A_403 : memref<400x64xf32, #tpu.memory_space<hbm>>) dst(%dma_wait3A_400 : memref<400x64xf32, #tpu.memory_space<vmem>>)
      %add3A_404 = arith.constant 0 : i32
      %add3A_405 = arith.addi %mul3A_388, %add3A_404 : i32
      %mul3A_406 = arith.constant 2 : i32
      %mul3A_407 = arith.muli %add3A_405, %mul3A_406 : i32
      %add3A_408 = arith.addi %mul3A_2, %mul3A_407 : i32
      %mul3A_409 = arith.constant 200 : i32
      %mul3A_410 = arith.muli %add3A_408, %mul3A_409 : i32
      %dma_start3A_411 = arith.constant 0 : i32
      %dma_start3A_412 = arith.constant 0 : i32
      %dma_start3A_413 = arith.constant 0 : i32
      %dma_start3A_414 = tpu.memref_slice %arg6[%dma_start3A_411, %dma_start3A_412, %dma_start3A_413] : memref<4x400x64xf32, #tpu.memory_space<vmem>> -> memref<1x400x64xf32, #tpu.memory_space<vmem>>
      %dma_start3A_415 = tpu.memref_squeeze %dma_start3A_414 : memref<1x400x64xf32, #tpu.memory_space<vmem>> -> memref<400x64xf32, #tpu.memory_space<vmem>>
      %dma_start3A_416 = arith.constant 0 : i32
      %dma_start3A_417 = tpu.memref_slice %arg4[%mul3A_410, %dma_start3A_416] : memref<819200x128xf32, #tpu.memory_space<hbm>> -> memref<400x64xf32, #tpu.memory_space<hbm>>
      %dma_start3A_418 = arith.constant 0 : i32
      %dma_start3A_419 = tpu.memref_slice %arg4[%mul3A_410, %dma_start3A_418] : memref<819200x128xf32, #tpu.memory_space<hbm>> -> memref<400x64xf32, #tpu.memory_space<hbm>>
      %dma_start3A_420 = arith.constant 0 : i32
      %dma_start3A_421 = arith.constant 0 : i32
      %dma_start3A_422 = tpu.memref_slice %arg6[%dma_start3A_411, %dma_start3A_420, %dma_start3A_421] : memref<4x400x64xf32, #tpu.memory_space<vmem>> -> memref<1x400x64xf32, #tpu.memory_space<vmem>>
      %dma_start3A_423 = tpu.memref_squeeze %dma_start3A_422 : memref<1x400x64xf32, #tpu.memory_space<vmem>> -> memref<400x64xf32, #tpu.memory_space<vmem>>
      tpu.enqueue_dma source(%dma_start3A_423 : memref<400x64xf32, #tpu.memory_space<vmem>>) target(%dma_start3A_419 : memref<400x64xf32, #tpu.memory_space<hbm>>) target_semaphore(%arg11 : memref<!tpu.dma_semaphore, #tpu.memory_space<semaphore_mem>>)
      %dma_wait3A_424 = arith.constant 1 : i32
      %dma_wait3A_425 = arith.constant 0 : i32
      %dma_wait3A_426 = arith.constant 0 : i32
      %dma_wait3A_427 = tpu.memref_slice %arg6[%dma_wait3A_424, %dma_wait3A_425, %dma_wait3A_426] : memref<4x400x64xf32, #tpu.memory_space<vmem>> -> memref<1x400x64xf32, #tpu.memory_space<vmem>>
      %dma_wait3A_428 = tpu.memref_squeeze %dma_wait3A_427 : memref<1x400x64xf32, #tpu.memory_space<vmem>> -> memref<400x64xf32, #tpu.memory_space<vmem>>
      %dma_wait3A_429 = arith.constant 0 : i32
      %dma_wait3A_430 = arith.constant 0 : i32
      %dma_wait3A_431 = tpu.memref_slice %arg4[%dma_wait3A_429, %dma_wait3A_430] : memref<819200x128xf32, #tpu.memory_space<hbm>> -> memref<400x64xf32, #tpu.memory_space<hbm>>
      %dma_wait3A_432 = arith.constant 0 : i32
      %dma_wait3A_433 = arith.constant 0 : i32
      %dma_wait3A_434 = tpu.memref_slice %arg6[%dma_wait3A_424, %dma_wait3A_432, %dma_wait3A_433] : memref<4x400x64xf32, #tpu.memory_space<vmem>> -> memref<1x400x64xf32, #tpu.memory_space<vmem>>
      %dma_wait3A_435 = tpu.memref_squeeze %dma_wait3A_434 : memref<1x400x64xf32, #tpu.memory_space<vmem>> -> memref<400x64xf32, #tpu.memory_space<vmem>>
      %dma_wait3A_436 = arith.constant 0 : i32
      %dma_wait3A_437 = arith.constant 0 : i32
      %dma_wait3A_438 = tpu.memref_slice %arg4[%dma_wait3A_436, %dma_wait3A_437] : memref<819200x128xf32, #tpu.memory_space<hbm>> -> memref<400x64xf32, #tpu.memory_space<hbm>>
      tpu.wait_dma2 semaphore(%arg8 : memref<!tpu.dma_semaphore, #tpu.memory_space<semaphore_mem>>) src(%dma_wait3A_438 : memref<400x64xf32, #tpu.memory_space<hbm>>) dst(%dma_wait3A_435 : memref<400x64xf32, #tpu.memory_space<vmem>>)
      %add3A_439 = arith.constant 1 : i32
      %add3A_440 = arith.addi %mul3A_388, %add3A_439 : i32
      %mul3A_441 = arith.constant 2 : i32
      %mul3A_442 = arith.muli %add3A_440, %mul3A_441 : i32
      %add3A_443 = arith.addi %mul3A_2, %mul3A_442 : i32
      %mul3A_444 = arith.constant 200 : i32
      %mul3A_445 = arith.muli %add3A_443, %mul3A_444 : i32
      %dma_start3A_446 = arith.constant 1 : i32
      %dma_start3A_447 = arith.constant 0 : i32
      %dma_start3A_448 = arith.constant 0 : i32
      %dma_start3A_449 = tpu.memref_slice %arg6[%dma_start3A_446, %dma_start3A_447, %dma_start3A_448] : memref<4x400x64xf32, #tpu.memory_space<vmem>> -> memref<1x400x64xf32, #tpu.memory_space<vmem>>
      %dma_start3A_450 = tpu.memref_squeeze %dma_start3A_449 : memref<1x400x64xf32, #tpu.memory_space<vmem>> -> memref<400x64xf32, #tpu.memory_space<vmem>>
      %dma_start3A_451 = arith.constant 0 : i32
      %dma_start3A_452 = tpu.memref_slice %arg4[%mul3A_445, %dma_start3A_451] : memref<819200x128xf32, #tpu.memory_space<hbm>> -> memref<400x64xf32, #tpu.memory_space<hbm>>
      %dma_start3A_453 = arith.constant 0 : i32
      %dma_start3A_454 = tpu.memref_slice %arg4[%mul3A_445, %dma_start3A_453] : memref<819200x128xf32, #tpu.memory_space<hbm>> -> memref<400x64xf32, #tpu.memory_space<hbm>>
      %dma_start3A_455 = arith.constant 0 : i32
      %dma_start3A_456 = arith.constant 0 : i32
      %dma_start3A_457 = tpu.memref_slice %arg6[%dma_start3A_446, %dma_start3A_455, %dma_start3A_456] : memref<4x400x64xf32, #tpu.memory_space<vmem>> -> memref<1x400x64xf32, #tpu.memory_space<vmem>>
      %dma_start3A_458 = tpu.memref_squeeze %dma_start3A_457 : memref<1x400x64xf32, #tpu.memory_space<vmem>> -> memref<400x64xf32, #tpu.memory_space<vmem>>
      tpu.enqueue_dma source(%dma_start3A_458 : memref<400x64xf32, #tpu.memory_space<vmem>>) target(%dma_start3A_454 : memref<400x64xf32, #tpu.memory_space<hbm>>) target_semaphore(%arg12 : memref<!tpu.dma_semaphore, #tpu.memory_space<semaphore_mem>>)
      %dma_wait3A_459 = arith.constant 2 : i32
      %dma_wait3A_460 = arith.constant 0 : i32
      %dma_wait3A_461 = arith.constant 0 : i32
      %dma_wait3A_462 = tpu.memref_slice %arg6[%dma_wait3A_459, %dma_wait3A_460, %dma_wait3A_461] : memref<4x400x64xf32, #tpu.memory_space<vmem>> -> memref<1x400x64xf32, #tpu.memory_space<vmem>>
      %dma_wait3A_463 = tpu.memref_squeeze %dma_wait3A_462 : memref<1x400x64xf32, #tpu.memory_space<vmem>> -> memref<400x64xf32, #tpu.memory_space<vmem>>
      %dma_wait3A_464 = arith.constant 0 : i32
      %dma_wait3A_465 = arith.constant 0 : i32
      %dma_wait3A_466 = tpu.memref_slice %arg4[%dma_wait3A_464, %dma_wait3A_465] : memref<819200x128xf32, #tpu.memory_space<hbm>> -> memref<400x64xf32, #tpu.memory_space<hbm>>
      %dma_wait3A_467 = arith.constant 0 : i32
      %dma_wait3A_468 = arith.constant 0 : i32
      %dma_wait3A_469 = tpu.memref_slice %arg6[%dma_wait3A_459, %dma_wait3A_467, %dma_wait3A_468] : memref<4x400x64xf32, #tpu.memory_space<vmem>> -> memref<1x400x64xf32, #tpu.memory_space<vmem>>
      %dma_wait3A_470 = tpu.memref_squeeze %dma_wait3A_469 : memref<1x400x64xf32, #tpu.memory_space<vmem>> -> memref<400x64xf32, #tpu.memory_space<vmem>>
      %dma_wait3A_471 = arith.constant 0 : i32
      %dma_wait3A_472 = arith.constant 0 : i32
      %dma_wait3A_473 = tpu.memref_slice %arg4[%dma_wait3A_471, %dma_wait3A_472] : memref<819200x128xf32, #tpu.memory_space<hbm>> -> memref<400x64xf32, #tpu.memory_space<hbm>>
      tpu.wait_dma2 semaphore(%arg9 : memref<!tpu.dma_semaphore, #tpu.memory_space<semaphore_mem>>) src(%dma_wait3A_473 : memref<400x64xf32, #tpu.memory_space<hbm>>) dst(%dma_wait3A_470 : memref<400x64xf32, #tpu.memory_space<vmem>>)
      %add3A_474 = arith.constant 2 : i32
      %add3A_475 = arith.addi %mul3A_388, %add3A_474 : i32
      %mul3A_476 = arith.constant 2 : i32
      %mul3A_477 = arith.muli %add3A_475, %mul3A_476 : i32
      %add3A_478 = arith.addi %mul3A_2, %mul3A_477 : i32
      %mul3A_479 = arith.constant 200 : i32
      %mul3A_480 = arith.muli %add3A_478, %mul3A_479 : i32
      %dma_start3A_481 = arith.constant 2 : i32
      %dma_start3A_482 = arith.constant 0 : i32
      %dma_start3A_483 = arith.constant 0 : i32
      %dma_start3A_484 = tpu.memref_slice %arg6[%dma_start3A_481, %dma_start3A_482, %dma_start3A_483] : memref<4x400x64xf32, #tpu.memory_space<vmem>> -> memref<1x400x64xf32, #tpu.memory_space<vmem>>
      %dma_start3A_485 = tpu.memref_squeeze %dma_start3A_484 : memref<1x400x64xf32, #tpu.memory_space<vmem>> -> memref<400x64xf32, #tpu.memory_space<vmem>>
      %dma_start3A_486 = arith.constant 0 : i32
      %dma_start3A_487 = tpu.memref_slice %arg4[%mul3A_480, %dma_start3A_486] : memref<819200x128xf32, #tpu.memory_space<hbm>> -> memref<400x64xf32, #tpu.memory_space<hbm>>
      %dma_start3A_488 = arith.constant 0 : i32
      %dma_start3A_489 = tpu.memref_slice %arg4[%mul3A_480, %dma_start3A_488] : memref<819200x128xf32, #tpu.memory_space<hbm>> -> memref<400x64xf32, #tpu.memory_space<hbm>>
      %dma_start3A_490 = arith.constant 0 : i32
      %dma_start3A_491 = arith.constant 0 : i32
      %dma_start3A_492 = tpu.memref_slice %arg6[%dma_start3A_481, %dma_start3A_490, %dma_start3A_491] : memref<4x400x64xf32, #tpu.memory_space<vmem>> -> memref<1x400x64xf32, #tpu.memory_space<vmem>>
      %dma_start3A_493 = tpu.memref_squeeze %dma_start3A_492 : memref<1x400x64xf32, #tpu.memory_space<vmem>> -> memref<400x64xf32, #tpu.memory_space<vmem>>
      tpu.enqueue_dma source(%dma_start3A_493 : memref<400x64xf32, #tpu.memory_space<vmem>>) target(%dma_start3A_489 : memref<400x64xf32, #tpu.memory_space<hbm>>) target_semaphore(%arg13 : memref<!tpu.dma_semaphore, #tpu.memory_space<semaphore_mem>>)
      %dma_wait3A_494 = arith.constant 3 : i32
      %dma_wait3A_495 = arith.constant 0 : i32
      %dma_wait3A_496 = arith.constant 0 : i32
      %dma_wait3A_497 = tpu.memref_slice %arg6[%dma_wait3A_494, %dma_wait3A_495, %dma_wait3A_496] : memref<4x400x64xf32, #tpu.memory_space<vmem>> -> memref<1x400x64xf32, #tpu.memory_space<vmem>>
      %dma_wait3A_498 = tpu.memref_squeeze %dma_wait3A_497 : memref<1x400x64xf32, #tpu.memory_space<vmem>> -> memref<400x64xf32, #tpu.memory_space<vmem>>
      %dma_wait3A_499 = arith.constant 0 : i32
      %dma_wait3A_500 = arith.constant 0 : i32
      %dma_wait3A_501 = tpu.memref_slice %arg4[%dma_wait3A_499, %dma_wait3A_500] : memref<819200x128xf32, #tpu.memory_space<hbm>> -> memref<400x64xf32, #tpu.memory_space<hbm>>
      %dma_wait3A_502 = arith.constant 0 : i32
      %dma_wait3A_503 = arith.constant 0 : i32
      %dma_wait3A_504 = tpu.memref_slice %arg6[%dma_wait3A_494, %dma_wait3A_502, %dma_wait3A_503] : memref<4x400x64xf32, #tpu.memory_space<vmem>> -> memref<1x400x64xf32, #tpu.memory_space<vmem>>
      %dma_wait3A_505 = tpu.memref_squeeze %dma_wait3A_504 : memref<1x400x64xf32, #tpu.memory_space<vmem>> -> memref<400x64xf32, #tpu.memory_space<vmem>>
      %dma_wait3A_506 = arith.constant 0 : i32
      %dma_wait3A_507 = arith.constant 0 : i32
      %dma_wait3A_508 = tpu.memref_slice %arg4[%dma_wait3A_506, %dma_wait3A_507] : memref<819200x128xf32, #tpu.memory_space<hbm>> -> memref<400x64xf32, #tpu.memory_space<hbm>>
      tpu.wait_dma2 semaphore(%arg10 : memref<!tpu.dma_semaphore, #tpu.memory_space<semaphore_mem>>) src(%dma_wait3A_508 : memref<400x64xf32, #tpu.memory_space<hbm>>) dst(%dma_wait3A_505 : memref<400x64xf32, #tpu.memory_space<vmem>>)
      %add3A_509 = arith.constant 3 : i32
      %add3A_510 = arith.addi %mul3A_388, %add3A_509 : i32
      %mul3A_511 = arith.constant 2 : i32
      %mul3A_512 = arith.muli %add3A_510, %mul3A_511 : i32
      %add3A_513 = arith.addi %mul3A_2, %mul3A_512 : i32
      %mul3A_514 = arith.constant 200 : i32
      %mul3A_515 = arith.muli %add3A_513, %mul3A_514 : i32
      %dma_start3A_516 = arith.constant 3 : i32
      %dma_start3A_517 = arith.constant 0 : i32
      %dma_start3A_518 = arith.constant 0 : i32
      %dma_start3A_519 = tpu.memref_slice %arg6[%dma_start3A_516, %dma_start3A_517, %dma_start3A_518] : memref<4x400x64xf32, #tpu.memory_space<vmem>> -> memref<1x400x64xf32, #tpu.memory_space<vmem>>
      %dma_start3A_520 = tpu.memref_squeeze %dma_start3A_519 : memref<1x400x64xf32, #tpu.memory_space<vmem>> -> memref<400x64xf32, #tpu.memory_space<vmem>>
      %dma_start3A_521 = arith.constant 0 : i32
      %dma_start3A_522 = tpu.memref_slice %arg4[%mul3A_515, %dma_start3A_521] : memref<819200x128xf32, #tpu.memory_space<hbm>> -> memref<400x64xf32, #tpu.memory_space<hbm>>
      %dma_start3A_523 = arith.constant 0 : i32
      %dma_start3A_524 = tpu.memref_slice %arg4[%mul3A_515, %dma_start3A_523] : memref<819200x128xf32, #tpu.memory_space<hbm>> -> memref<400x64xf32, #tpu.memory_space<hbm>>
      %dma_start3A_525 = arith.constant 0 : i32
      %dma_start3A_526 = arith.constant 0 : i32
      %dma_start3A_527 = tpu.memref_slice %arg6[%dma_start3A_516, %dma_start3A_525, %dma_start3A_526] : memref<4x400x64xf32, #tpu.memory_space<vmem>> -> memref<1x400x64xf32, #tpu.memory_space<vmem>>
      %dma_start3A_528 = tpu.memref_squeeze %dma_start3A_527 : memref<1x400x64xf32, #tpu.memory_space<vmem>> -> memref<400x64xf32, #tpu.memory_space<vmem>>
      tpu.enqueue_dma source(%dma_start3A_528 : memref<400x64xf32, #tpu.memory_space<vmem>>) target(%dma_start3A_524 : memref<400x64xf32, #tpu.memory_space<hbm>>) target_semaphore(%arg14 : memref<!tpu.dma_semaphore, #tpu.memory_space<semaphore_mem>>)
      %dma_wait3A_529 = arith.constant 0 : i32
      %dma_wait3A_530 = arith.constant 0 : i32
      %dma_wait3A_531 = arith.constant 0 : i32
      %dma_wait3A_532 = tpu.memref_slice %arg6[%dma_wait3A_529, %dma_wait3A_530, %dma_wait3A_531] : memref<4x400x64xf32, #tpu.memory_space<vmem>> -> memref<1x400x64xf32, #tpu.memory_space<vmem>>
      %dma_wait3A_533 = tpu.memref_squeeze %dma_wait3A_532 : memref<1x400x64xf32, #tpu.memory_space<vmem>> -> memref<400x64xf32, #tpu.memory_space<vmem>>
      %dma_wait3A_534 = arith.constant 0 : i32
      %dma_wait3A_535 = arith.constant 0 : i32
      %dma_wait3A_536 = tpu.memref_slice %arg4[%dma_wait3A_534, %dma_wait3A_535] : memref<819200x128xf32, #tpu.memory_space<hbm>> -> memref<400x64xf32, #tpu.memory_space<hbm>>
      %dma_wait3A_537 = arith.constant 0 : i32
      %dma_wait3A_538 = arith.constant 0 : i32
      %dma_wait3A_539 = tpu.memref_slice %arg4[%dma_wait3A_537, %dma_wait3A_538] : memref<819200x128xf32, #tpu.memory_space<hbm>> -> memref<400x64xf32, #tpu.memory_space<hbm>>
      %dma_wait3A_540 = arith.constant 0 : i32
      %dma_wait3A_541 = arith.constant 0 : i32
      %dma_wait3A_542 = tpu.memref_slice %arg6[%dma_wait3A_529, %dma_wait3A_540, %dma_wait3A_541] : memref<4x400x64xf32, #tpu.memory_space<vmem>> -> memref<1x400x64xf32, #tpu.memory_space<vmem>>
      %dma_wait3A_543 = tpu.memref_squeeze %dma_wait3A_542 : memref<1x400x64xf32, #tpu.memory_space<vmem>> -> memref<400x64xf32, #tpu.memory_space<vmem>>
      tpu.wait_dma2 semaphore(%arg11 : memref<!tpu.dma_semaphore, #tpu.memory_space<semaphore_mem>>) src(%dma_wait3A_543 : memref<400x64xf32, #tpu.memory_space<vmem>>) dst(%dma_wait3A_539 : memref<400x64xf32, #tpu.memory_space<hbm>>)
      %add3A_544 = arith.constant 4 : i32
      %add3A_545 = arith.addi %mul3A_388, %add3A_544 : i32
      %add3A_546 = arith.constant 0 : i32
      %add3A_547 = arith.addi %add3A_545, %add3A_546 : i32
      %mul3A_548 = arith.constant 2 : i32
      %mul3A_549 = arith.muli %add3A_547, %mul3A_548 : i32
      %add3A_550 = arith.constant 0 : i32
      %add3A_551 = arith.addi %mul3A_549, %add3A_550 : i32
      %dma_start3A_552 = arith.constant 0 : i32
      %dma_start3A_553 = arith.constant 0 : i32
      %dma_start3A_554 = arith.constant 0 : i32
      %dma_start3A_555 = tpu.memref_slice %arg6[%dma_start3A_552, %dma_start3A_553, %dma_start3A_554] : memref<4x400x64xf32, #tpu.memory_space<vmem>> -> memref<1x128x64xf32, #tpu.memory_space<vmem>>
      %dma_start3A_556 = tpu.memref_squeeze %dma_start3A_555 : memref<1x128x64xf32, #tpu.memory_space<vmem>> -> memref<128x64xf32, #tpu.memory_space<vmem>>
      %dma_start3A_557 = arith.constant 0 : i32
      %dma_start3A_558 = tpu.memref_slice %arg5[%add3A_551, %dma_start3A_557] : memref<128x200xi32, #tpu.memory_space<vmem>> -> memref<1x128xi32, #tpu.memory_space<vmem>>
      %dma_start3A_559 = tpu.memref_squeeze %dma_start3A_558 : memref<1x128xi32, #tpu.memory_space<vmem>> -> memref<128xi32, #tpu.memory_space<vmem>>
      %dma_start3A_560 = arith.constant 0 : i32
      %dma_start3A_561 = arith.constant 0 : i32
      %dma_start3A_562 = tpu.memref_slice %arg2[%dma_start3A_560, %dma_start3A_561] : memref<1000000x64xf32, #tpu.memory_space<hbm>> -> memref<1000000x64xf32, #tpu.memory_space<hbm>>
      tpu.enqueue_indirect_dma source(%dma_start3A_562 : memref<1000000x64xf32, #tpu.memory_space<hbm>>) target(%dma_start3A_556 : memref<128x64xf32, #tpu.memory_space<vmem>>) offsets(%dma_start3A_559 : memref<128xi32, #tpu.memory_space<vmem>>) semaphore(%arg7 : memref<!tpu.dma_semaphore, #tpu.memory_space<semaphore_mem>>)
      %dma_start3A_563 = arith.constant 0 : i32
      %dma_start3A_564 = arith.constant 128 : i32
      %dma_start3A_565 = arith.constant 0 : i32
      %dma_start3A_566 = tpu.memref_slice %arg6[%dma_start3A_563, %dma_start3A_564, %dma_start3A_565] : memref<4x400x64xf32, #tpu.memory_space<vmem>> -> memref<1x72x64xf32, #tpu.memory_space<vmem>>
      %dma_start3A_567 = tpu.memref_squeeze %dma_start3A_566 : memref<1x72x64xf32, #tpu.memory_space<vmem>> -> memref<72x64xf32, #tpu.memory_space<vmem>>
      %dma_start3A_568 = arith.constant 128 : i32
      %dma_start3A_569 = tpu.memref_slice %arg5[%add3A_551, %dma_start3A_568] : memref<128x200xi32, #tpu.memory_space<vmem>> -> memref<1x72xi32, #tpu.memory_space<vmem>>
      %dma_start3A_570 = tpu.memref_squeeze %dma_start3A_569 : memref<1x72xi32, #tpu.memory_space<vmem>> -> memref<72xi32, #tpu.memory_space<vmem>>
      %dma_start3A_571 = arith.constant 0 : i32
      %dma_start3A_572 = arith.constant 0 : i32
      %dma_start3A_573 = tpu.memref_slice %arg2[%dma_start3A_571, %dma_start3A_572] : memref<1000000x64xf32, #tpu.memory_space<hbm>> -> memref<1000000x64xf32, #tpu.memory_space<hbm>>
      tpu.enqueue_indirect_dma source(%dma_start3A_573 : memref<1000000x64xf32, #tpu.memory_space<hbm>>) target(%dma_start3A_567 : memref<72x64xf32, #tpu.memory_space<vmem>>) offsets(%dma_start3A_570 : memref<72xi32, #tpu.memory_space<vmem>>) semaphore(%arg7 : memref<!tpu.dma_semaphore, #tpu.memory_space<semaphore_mem>>)
      %mul3A_574 = arith.constant 2 : i32
      %mul3A_575 = arith.muli %add3A_547, %mul3A_574 : i32
      %add3A_576 = arith.constant 1 : i32
      %add3A_577 = arith.addi %mul3A_575, %add3A_576 : i32
      %dma_start3A_578 = arith.constant 0 : i32
      %dma_start3A_579 = arith.constant 200 : i32
      %dma_start3A_580 = arith.constant 0 : i32
      %dma_start3A_581 = tpu.memref_slice %arg6[%dma_start3A_578, %dma_start3A_579, %dma_start3A_580] : memref<4x400x64xf32, #tpu.memory_space<vmem>> -> memref<1x128x64xf32, #tpu.memory_space<vmem>>
      %dma_start3A_582 = tpu.memref_squeeze %dma_start3A_581 : memref<1x128x64xf32, #tpu.memory_space<vmem>> -> memref<128x64xf32, #tpu.memory_space<vmem>>
      %dma_start3A_583 = arith.constant 0 : i32
      %dma_start3A_584 = tpu.memref_slice %arg5[%add3A_577, %dma_start3A_583] : memref<128x200xi32, #tpu.memory_space<vmem>> -> memref<1x128xi32, #tpu.memory_space<vmem>>
      %dma_start3A_585 = tpu.memref_squeeze %dma_start3A_584 : memref<1x128xi32, #tpu.memory_space<vmem>> -> memref<128xi32, #tpu.memory_space<vmem>>
      %dma_start3A_586 = arith.constant 0 : i32
      %dma_start3A_587 = arith.constant 0 : i32
      %dma_start3A_588 = tpu.memref_slice %arg2[%dma_start3A_586, %dma_start3A_587] : memref<1000000x64xf32, #tpu.memory_space<hbm>> -> memref<1000000x64xf32, #tpu.memory_space<hbm>>
      tpu.enqueue_indirect_dma source(%dma_start3A_588 : memref<1000000x64xf32, #tpu.memory_space<hbm>>) target(%dma_start3A_582 : memref<128x64xf32, #tpu.memory_space<vmem>>) offsets(%dma_start3A_585 : memref<128xi32, #tpu.memory_space<vmem>>) semaphore(%arg7 : memref<!tpu.dma_semaphore, #tpu.memory_space<semaphore_mem>>)
      %dma_start3A_589 = arith.constant 0 : i32
      %dma_start3A_590 = arith.constant 328 : i32
      %dma_start3A_591 = arith.constant 0 : i32
      %dma_start3A_592 = tpu.memref_slice %arg6[%dma_start3A_589, %dma_start3A_590, %dma_start3A_591] : memref<4x400x64xf32, #tpu.memory_space<vmem>> -> memref<1x72x64xf32, #tpu.memory_space<vmem>>
      %dma_start3A_593 = tpu.memref_squeeze %dma_start3A_592 : memref<1x72x64xf32, #tpu.memory_space<vmem>> -> memref<72x64xf32, #tpu.memory_space<vmem>>
      %dma_start3A_594 = arith.constant 128 : i32
      %dma_start3A_595 = tpu.memref_slice %arg5[%add3A_577, %dma_start3A_594] : memref<128x200xi32, #tpu.memory_space<vmem>> -> memref<1x72xi32, #tpu.memory_space<vmem>>
      %dma_start3A_596 = tpu.memref_squeeze %dma_start3A_595 : memref<1x72xi32, #tpu.memory_space<vmem>> -> memref<72xi32, #tpu.memory_space<vmem>>
      %dma_start3A_597 = arith.constant 0 : i32
      %dma_start3A_598 = arith.constant 0 : i32
      %dma_start3A_599 = tpu.memref_slice %arg2[%dma_start3A_597, %dma_start3A_598] : memref<1000000x64xf32, #tpu.memory_space<hbm>> -> memref<1000000x64xf32, #tpu.memory_space<hbm>>
      tpu.enqueue_indirect_dma source(%dma_start3A_599 : memref<1000000x64xf32, #tpu.memory_space<hbm>>) target(%dma_start3A_593 : memref<72x64xf32, #tpu.memory_space<vmem>>) offsets(%dma_start3A_596 : memref<72xi32, #tpu.memory_space<vmem>>) semaphore(%arg7 : memref<!tpu.dma_semaphore, #tpu.memory_space<semaphore_mem>>)
      %dma_wait3A_600 = arith.constant 1 : i32
      %dma_wait3A_601 = arith.constant 0 : i32
      %dma_wait3A_602 = arith.constant 0 : i32
      %dma_wait3A_603 = tpu.memref_slice %arg6[%dma_wait3A_600, %dma_wait3A_601, %dma_wait3A_602] : memref<4x400x64xf32, #tpu.memory_space<vmem>> -> memref<1x400x64xf32, #tpu.memory_space<vmem>>
      %dma_wait3A_604 = tpu.memref_squeeze %dma_wait3A_603 : memref<1x400x64xf32, #tpu.memory_space<vmem>> -> memref<400x64xf32, #tpu.memory_space<vmem>>
      %dma_wait3A_605 = arith.constant 0 : i32
      %dma_wait3A_606 = arith.constant 0 : i32
      %dma_wait3A_607 = tpu.memref_slice %arg4[%dma_wait3A_605, %dma_wait3A_606] : memref<819200x128xf32, #tpu.memory_space<hbm>> -> memref<400x64xf32, #tpu.memory_space<hbm>>
      %dma_wait3A_608 = arith.constant 0 : i32
      %dma_wait3A_609 = arith.constant 0 : i32
      %dma_wait3A_610 = tpu.memref_slice %arg4[%dma_wait3A_608, %dma_wait3A_609] : memref<819200x128xf32, #tpu.memory_space<hbm>> -> memref<400x64xf32, #tpu.memory_space<hbm>>
      %dma_wait3A_611 = arith.constant 0 : i32
      %dma_wait3A_612 = arith.constant 0 : i32
      %dma_wait3A_613 = tpu.memref_slice %arg6[%dma_wait3A_600, %dma_wait3A_611, %dma_wait3A_612] : memref<4x400x64xf32, #tpu.memory_space<vmem>> -> memref<1x400x64xf32, #tpu.memory_space<vmem>>
      %dma_wait3A_614 = tpu.memref_squeeze %dma_wait3A_613 : memref<1x400x64xf32, #tpu.memory_space<vmem>> -> memref<400x64xf32, #tpu.memory_space<vmem>>
      tpu.wait_dma2 semaphore(%arg12 : memref<!tpu.dma_semaphore, #tpu.memory_space<semaphore_mem>>) src(%dma_wait3A_614 : memref<400x64xf32, #tpu.memory_space<vmem>>) dst(%dma_wait3A_610 : memref<400x64xf32, #tpu.memory_space<hbm>>)
      %add3A_615 = arith.constant 4 : i32
      %add3A_616 = arith.addi %mul3A_388, %add3A_615 : i32
      %add3A_617 = arith.constant 1 : i32
      %add3A_618 = arith.addi %add3A_616, %add3A_617 : i32
      %mul3A_619 = arith.constant 2 : i32
      %mul3A_620 = arith.muli %add3A_618, %mul3A_619 : i32
      %add3A_621 = arith.constant 0 : i32
      %add3A_622 = arith.addi %mul3A_620, %add3A_621 : i32
      %dma_start3A_623 = arith.constant 1 : i32
      %dma_start3A_624 = arith.constant 0 : i32
      %dma_start3A_625 = arith.constant 0 : i32
      %dma_start3A_626 = tpu.memref_slice %arg6[%dma_start3A_623, %dma_start3A_624, %dma_start3A_625] : memref<4x400x64xf32, #tpu.memory_space<vmem>> -> memref<1x128x64xf32, #tpu.memory_space<vmem>>
      %dma_start3A_627 = tpu.memref_squeeze %dma_start3A_626 : memref<1x128x64xf32, #tpu.memory_space<vmem>> -> memref<128x64xf32, #tpu.memory_space<vmem>>
      %dma_start3A_628 = arith.constant 0 : i32
      %dma_start3A_629 = tpu.memref_slice %arg5[%add3A_622, %dma_start3A_628] : memref<128x200xi32, #tpu.memory_space<vmem>> -> memref<1x128xi32, #tpu.memory_space<vmem>>
      %dma_start3A_630 = tpu.memref_squeeze %dma_start3A_629 : memref<1x128xi32, #tpu.memory_space<vmem>> -> memref<128xi32, #tpu.memory_space<vmem>>
      %dma_start3A_631 = arith.constant 0 : i32
      %dma_start3A_632 = arith.constant 0 : i32
      %dma_start3A_633 = tpu.memref_slice %arg2[%dma_start3A_631, %dma_start3A_632] : memref<1000000x64xf32, #tpu.memory_space<hbm>> -> memref<1000000x64xf32, #tpu.memory_space<hbm>>
      tpu.enqueue_indirect_dma source(%dma_start3A_633 : memref<1000000x64xf32, #tpu.memory_space<hbm>>) target(%dma_start3A_627 : memref<128x64xf32, #tpu.memory_space<vmem>>) offsets(%dma_start3A_630 : memref<128xi32, #tpu.memory_space<vmem>>) semaphore(%arg8 : memref<!tpu.dma_semaphore, #tpu.memory_space<semaphore_mem>>)
      %dma_start3A_634 = arith.constant 1 : i32
      %dma_start3A_635 = arith.constant 128 : i32
      %dma_start3A_636 = arith.constant 0 : i32
      %dma_start3A_637 = tpu.memref_slice %arg6[%dma_start3A_634, %dma_start3A_635, %dma_start3A_636] : memref<4x400x64xf32, #tpu.memory_space<vmem>> -> memref<1x72x64xf32, #tpu.memory_space<vmem>>
      %dma_start3A_638 = tpu.memref_squeeze %dma_start3A_637 : memref<1x72x64xf32, #tpu.memory_space<vmem>> -> memref<72x64xf32, #tpu.memory_space<vmem>>
      %dma_start3A_639 = arith.constant 128 : i32
      %dma_start3A_640 = tpu.memref_slice %arg5[%add3A_622, %dma_start3A_639] : memref<128x200xi32, #tpu.memory_space<vmem>> -> memref<1x72xi32, #tpu.memory_space<vmem>>
      %dma_start3A_641 = tpu.memref_squeeze %dma_start3A_640 : memref<1x72xi32, #tpu.memory_space<vmem>> -> memref<72xi32, #tpu.memory_space<vmem>>
      %dma_start3A_642 = arith.constant 0 : i32
      %dma_start3A_643 = arith.constant 0 : i32
      %dma_start3A_644 = tpu.memref_slice %arg2[%dma_start3A_642, %dma_start3A_643] : memref<1000000x64xf32, #tpu.memory_space<hbm>> -> memref<1000000x64xf32, #tpu.memory_space<hbm>>
      tpu.enqueue_indirect_dma source(%dma_start3A_644 : memref<1000000x64xf32, #tpu.memory_space<hbm>>) target(%dma_start3A_638 : memref<72x64xf32, #tpu.memory_space<vmem>>) offsets(%dma_start3A_641 : memref<72xi32, #tpu.memory_space<vmem>>) semaphore(%arg8 : memref<!tpu.dma_semaphore, #tpu.memory_space<semaphore_mem>>)
      %mul3A_645 = arith.constant 2 : i32
      %mul3A_646 = arith.muli %add3A_618, %mul3A_645 : i32
      %add3A_647 = arith.constant 1 : i32
      %add3A_648 = arith.addi %mul3A_646, %add3A_647 : i32
      %dma_start3A_649 = arith.constant 1 : i32
      %dma_start3A_650 = arith.constant 200 : i32
      %dma_start3A_651 = arith.constant 0 : i32
      %dma_start3A_652 = tpu.memref_slice %arg6[%dma_start3A_649, %dma_start3A_650, %dma_start3A_651] : memref<4x400x64xf32, #tpu.memory_space<vmem>> -> memref<1x128x64xf32, #tpu.memory_space<vmem>>
      %dma_start3A_653 = tpu.memref_squeeze %dma_start3A_652 : memref<1x128x64xf32, #tpu.memory_space<vmem>> -> memref<128x64xf32, #tpu.memory_space<vmem>>
      %dma_start3A_654 = arith.constant 0 : i32
      %dma_start3A_655 = tpu.memref_slice %arg5[%add3A_648, %dma_start3A_654] : memref<128x200xi32, #tpu.memory_space<vmem>> -> memref<1x128xi32, #tpu.memory_space<vmem>>
      %dma_start3A_656 = tpu.memref_squeeze %dma_start3A_655 : memref<1x128xi32, #tpu.memory_space<vmem>> -> memref<128xi32, #tpu.memory_space<vmem>>
      %dma_start3A_657 = arith.constant 0 : i32
      %dma_start3A_658 = arith.constant 0 : i32
      %dma_start3A_659 = tpu.memref_slice %arg2[%dma_start3A_657, %dma_start3A_658] : memref<1000000x64xf32, #tpu.memory_space<hbm>> -> memref<1000000x64xf32, #tpu.memory_space<hbm>>
      tpu.enqueue_indirect_dma source(%dma_start3A_659 : memref<1000000x64xf32, #tpu.memory_space<hbm>>) target(%dma_start3A_653 : memref<128x64xf32, #tpu.memory_space<vmem>>) offsets(%dma_start3A_656 : memref<128xi32, #tpu.memory_space<vmem>>) semaphore(%arg8 : memref<!tpu.dma_semaphore, #tpu.memory_space<semaphore_mem>>)
      %dma_start3A_660 = arith.constant 1 : i32
      %dma_start3A_661 = arith.constant 328 : i32
      %dma_start3A_662 = arith.constant 0 : i32
      %dma_start3A_663 = tpu.memref_slice %arg6[%dma_start3A_660, %dma_start3A_661, %dma_start3A_662] : memref<4x400x64xf32, #tpu.memory_space<vmem>> -> memref<1x72x64xf32, #tpu.memory_space<vmem>>
      %dma_start3A_664 = tpu.memref_squeeze %dma_start3A_663 : memref<1x72x64xf32, #tpu.memory_space<vmem>> -> memref<72x64xf32, #tpu.memory_space<vmem>>
      %dma_start3A_665 = arith.constant 128 : i32
      %dma_start3A_666 = tpu.memref_slice %arg5[%add3A_648, %dma_start3A_665] : memref<128x200xi32, #tpu.memory_space<vmem>> -> memref<1x72xi32, #tpu.memory_space<vmem>>
      %dma_start3A_667 = tpu.memref_squeeze %dma_start3A_666 : memref<1x72xi32, #tpu.memory_space<vmem>> -> memref<72xi32, #tpu.memory_space<vmem>>
      %dma_start3A_668 = arith.constant 0 : i32
      %dma_start3A_669 = arith.constant 0 : i32
      %dma_start3A_670 = tpu.memref_slice %arg2[%dma_start3A_668, %dma_start3A_669] : memref<1000000x64xf32, #tpu.memory_space<hbm>> -> memref<1000000x64xf32, #tpu.memory_space<hbm>>
      tpu.enqueue_indirect_dma source(%dma_start3A_670 : memref<1000000x64xf32, #tpu.memory_space<hbm>>) target(%dma_start3A_664 : memref<72x64xf32, #tpu.memory_space<vmem>>) offsets(%dma_start3A_667 : memref<72xi32, #tpu.memory_space<vmem>>) semaphore(%arg8 : memref<!tpu.dma_semaphore, #tpu.memory_space<semaphore_mem>>)
      %dma_wait3A_671 = arith.constant 2 : i32
      %dma_wait3A_672 = arith.constant 0 : i32
      %dma_wait3A_673 = arith.constant 0 : i32
      %dma_wait3A_674 = tpu.memref_slice %arg6[%dma_wait3A_671, %dma_wait3A_672, %dma_wait3A_673] : memref<4x400x64xf32, #tpu.memory_space<vmem>> -> memref<1x400x64xf32, #tpu.memory_space<vmem>>
      %dma_wait3A_675 = tpu.memref_squeeze %dma_wait3A_674 : memref<1x400x64xf32, #tpu.memory_space<vmem>> -> memref<400x64xf32, #tpu.memory_space<vmem>>
      %dma_wait3A_676 = arith.constant 0 : i32
      %dma_wait3A_677 = arith.constant 0 : i32
      %dma_wait3A_678 = tpu.memref_slice %arg4[%dma_wait3A_676, %dma_wait3A_677] : memref<819200x128xf32, #tpu.memory_space<hbm>> -> memref<400x64xf32, #tpu.memory_space<hbm>>
      %dma_wait3A_679 = arith.constant 0 : i32
      %dma_wait3A_680 = arith.constant 0 : i32
      %dma_wait3A_681 = tpu.memref_slice %arg4[%dma_wait3A_679, %dma_wait3A_680] : memref<819200x128xf32, #tpu.memory_space<hbm>> -> memref<400x64xf32, #tpu.memory_space<hbm>>
      %dma_wait3A_682 = arith.constant 0 : i32
      %dma_wait3A_683 = arith.constant 0 : i32
      %dma_wait3A_684 = tpu.memref_slice %arg6[%dma_wait3A_671, %dma_wait3A_682, %dma_wait3A_683] : memref<4x400x64xf32, #tpu.memory_space<vmem>> -> memref<1x400x64xf32, #tpu.memory_space<vmem>>
      %dma_wait3A_685 = tpu.memref_squeeze %dma_wait3A_684 : memref<1x400x64xf32, #tpu.memory_space<vmem>> -> memref<400x64xf32, #tpu.memory_space<vmem>>
      tpu.wait_dma2 semaphore(%arg13 : memref<!tpu.dma_semaphore, #tpu.memory_space<semaphore_mem>>) src(%dma_wait3A_685 : memref<400x64xf32, #tpu.memory_space<vmem>>) dst(%dma_wait3A_681 : memref<400x64xf32, #tpu.memory_space<hbm>>)
      %add3A_686 = arith.constant 4 : i32
      %add3A_687 = arith.addi %mul3A_388, %add3A_686 : i32
      %add3A_688 = arith.constant 2 : i32
      %add3A_689 = arith.addi %add3A_687, %add3A_688 : i32
      %mul3A_690 = arith.constant 2 : i32
      %mul3A_691 = arith.muli %add3A_689, %mul3A_690 : i32
      %add3A_692 = arith.constant 0 : i32
      %add3A_693 = arith.addi %mul3A_691, %add3A_692 : i32
      %dma_start3A_694 = arith.constant 2 : i32
      %dma_start3A_695 = arith.constant 0 : i32
      %dma_start3A_696 = arith.constant 0 : i32
      %dma_start3A_697 = tpu.memref_slice %arg6[%dma_start3A_694, %dma_start3A_695, %dma_start3A_696] : memref<4x400x64xf32, #tpu.memory_space<vmem>> -> memref<1x128x64xf32, #tpu.memory_space<vmem>>
      %dma_start3A_698 = tpu.memref_squeeze %dma_start3A_697 : memref<1x128x64xf32, #tpu.memory_space<vmem>> -> memref<128x64xf32, #tpu.memory_space<vmem>>
      %dma_start3A_699 = arith.constant 0 : i32
      %dma_start3A_700 = tpu.memref_slice %arg5[%add3A_693, %dma_start3A_699] : memref<128x200xi32, #tpu.memory_space<vmem>> -> memref<1x128xi32, #tpu.memory_space<vmem>>
      %dma_start3A_701 = tpu.memref_squeeze %dma_start3A_700 : memref<1x128xi32, #tpu.memory_space<vmem>> -> memref<128xi32, #tpu.memory_space<vmem>>
      %dma_start3A_702 = arith.constant 0 : i32
      %dma_start3A_703 = arith.constant 0 : i32
      %dma_start3A_704 = tpu.memref_slice %arg2[%dma_start3A_702, %dma_start3A_703] : memref<1000000x64xf32, #tpu.memory_space<hbm>> -> memref<1000000x64xf32, #tpu.memory_space<hbm>>
      tpu.enqueue_indirect_dma source(%dma_start3A_704 : memref<1000000x64xf32, #tpu.memory_space<hbm>>) target(%dma_start3A_698 : memref<128x64xf32, #tpu.memory_space<vmem>>) offsets(%dma_start3A_701 : memref<128xi32, #tpu.memory_space<vmem>>) semaphore(%arg9 : memref<!tpu.dma_semaphore, #tpu.memory_space<semaphore_mem>>)
      %dma_start3A_705 = arith.constant 2 : i32
      %dma_start3A_706 = arith.constant 128 : i32
      %dma_start3A_707 = arith.constant 0 : i32
      %dma_start3A_708 = tpu.memref_slice %arg6[%dma_start3A_705, %dma_start3A_706, %dma_start3A_707] : memref<4x400x64xf32, #tpu.memory_space<vmem>> -> memref<1x72x64xf32, #tpu.memory_space<vmem>>
      %dma_start3A_709 = tpu.memref_squeeze %dma_start3A_708 : memref<1x72x64xf32, #tpu.memory_space<vmem>> -> memref<72x64xf32, #tpu.memory_space<vmem>>
      %dma_start3A_710 = arith.constant 128 : i32
      %dma_start3A_711 = tpu.memref_slice %arg5[%add3A_693, %dma_start3A_710] : memref<128x200xi32, #tpu.memory_space<vmem>> -> memref<1x72xi32, #tpu.memory_space<vmem>>
      %dma_start3A_712 = tpu.memref_squeeze %dma_start3A_711 : memref<1x72xi32, #tpu.memory_space<vmem>> -> memref<72xi32, #tpu.memory_space<vmem>>
      %dma_start3A_713 = arith.constant 0 : i32
      %dma_start3A_714 = arith.constant 0 : i32
      %dma_start3A_715 = tpu.memref_slice %arg2[%dma_start3A_713, %dma_start3A_714] : memref<1000000x64xf32, #tpu.memory_space<hbm>> -> memref<1000000x64xf32, #tpu.memory_space<hbm>>
      tpu.enqueue_indirect_dma source(%dma_start3A_715 : memref<1000000x64xf32, #tpu.memory_space<hbm>>) target(%dma_start3A_709 : memref<72x64xf32, #tpu.memory_space<vmem>>) offsets(%dma_start3A_712 : memref<72xi32, #tpu.memory_space<vmem>>) semaphore(%arg9 : memref<!tpu.dma_semaphore, #tpu.memory_space<semaphore_mem>>)
      %mul3A_716 = arith.constant 2 : i32
      %mul3A_717 = arith.muli %add3A_689, %mul3A_716 : i32
      %add3A_718 = arith.constant 1 : i32
      %add3A_719 = arith.addi %mul3A_717, %add3A_718 : i32
      %dma_start3A_720 = arith.constant 2 : i32
      %dma_start3A_721 = arith.constant 200 : i32
      %dma_start3A_722 = arith.constant 0 : i32
      %dma_start3A_723 = tpu.memref_slice %arg6[%dma_start3A_720, %dma_start3A_721, %dma_start3A_722] : memref<4x400x64xf32, #tpu.memory_space<vmem>> -> memref<1x128x64xf32, #tpu.memory_space<vmem>>
      %dma_start3A_724 = tpu.memref_squeeze %dma_start3A_723 : memref<1x128x64xf32, #tpu.memory_space<vmem>> -> memref<128x64xf32, #tpu.memory_space<vmem>>
      %dma_start3A_725 = arith.constant 0 : i32
      %dma_start3A_726 = tpu.memref_slice %arg5[%add3A_719, %dma_start3A_725] : memref<128x200xi32, #tpu.memory_space<vmem>> -> memref<1x128xi32, #tpu.memory_space<vmem>>
      %dma_start3A_727 = tpu.memref_squeeze %dma_start3A_726 : memref<1x128xi32, #tpu.memory_space<vmem>> -> memref<128xi32, #tpu.memory_space<vmem>>
      %dma_start3A_728 = arith.constant 0 : i32
      %dma_start3A_729 = arith.constant 0 : i32
      %dma_start3A_730 = tpu.memref_slice %arg2[%dma_start3A_728, %dma_start3A_729] : memref<1000000x64xf32, #tpu.memory_space<hbm>> -> memref<1000000x64xf32, #tpu.memory_space<hbm>>
      tpu.enqueue_indirect_dma source(%dma_start3A_730 : memref<1000000x64xf32, #tpu.memory_space<hbm>>) target(%dma_start3A_724 : memref<128x64xf32, #tpu.memory_space<vmem>>) offsets(%dma_start3A_727 : memref<128xi32, #tpu.memory_space<vmem>>) semaphore(%arg9 : memref<!tpu.dma_semaphore, #tpu.memory_space<semaphore_mem>>)
      %dma_start3A_731 = arith.constant 2 : i32
      %dma_start3A_732 = arith.constant 328 : i32
      %dma_start3A_733 = arith.constant 0 : i32
      %dma_start3A_734 = tpu.memref_slice %arg6[%dma_start3A_731, %dma_start3A_732, %dma_start3A_733] : memref<4x400x64xf32, #tpu.memory_space<vmem>> -> memref<1x72x64xf32, #tpu.memory_space<vmem>>
      %dma_start3A_735 = tpu.memref_squeeze %dma_start3A_734 : memref<1x72x64xf32, #tpu.memory_space<vmem>> -> memref<72x64xf32, #tpu.memory_space<vmem>>
      %dma_start3A_736 = arith.constant 128 : i32
      %dma_start3A_737 = tpu.memref_slice %arg5[%add3A_719, %dma_start3A_736] : memref<128x200xi32, #tpu.memory_space<vmem>> -> memref<1x72xi32, #tpu.memory_space<vmem>>
      %dma_start3A_738 = tpu.memref_squeeze %dma_start3A_737 : memref<1x72xi32, #tpu.memory_space<vmem>> -> memref<72xi32, #tpu.memory_space<vmem>>
      %dma_start3A_739 = arith.constant 0 : i32
      %dma_start3A_740 = arith.constant 0 : i32
      %dma_start3A_741 = tpu.memref_slice %arg2[%dma_start3A_739, %dma_start3A_740] : memref<1000000x64xf32, #tpu.memory_space<hbm>> -> memref<1000000x64xf32, #tpu.memory_space<hbm>>
      tpu.enqueue_indirect_dma source(%dma_start3A_741 : memref<1000000x64xf32, #tpu.memory_space<hbm>>) target(%dma_start3A_735 : memref<72x64xf32, #tpu.memory_space<vmem>>) offsets(%dma_start3A_738 : memref<72xi32, #tpu.memory_space<vmem>>) semaphore(%arg9 : memref<!tpu.dma_semaphore, #tpu.memory_space<semaphore_mem>>)
      %dma_wait3A_742 = arith.constant 3 : i32
      %dma_wait3A_743 = arith.constant 0 : i32
      %dma_wait3A_744 = arith.constant 0 : i32
      %dma_wait3A_745 = tpu.memref_slice %arg6[%dma_wait3A_742, %dma_wait3A_743, %dma_wait3A_744] : memref<4x400x64xf32, #tpu.memory_space<vmem>> -> memref<1x400x64xf32, #tpu.memory_space<vmem>>
      %dma_wait3A_746 = tpu.memref_squeeze %dma_wait3A_745 : memref<1x400x64xf32, #tpu.memory_space<vmem>> -> memref<400x64xf32, #tpu.memory_space<vmem>>
      %dma_wait3A_747 = arith.constant 0 : i32
      %dma_wait3A_748 = arith.constant 0 : i32
      %dma_wait3A_749 = tpu.memref_slice %arg4[%dma_wait3A_747, %dma_wait3A_748] : memref<819200x128xf32, #tpu.memory_space<hbm>> -> memref<400x64xf32, #tpu.memory_space<hbm>>
      %dma_wait3A_750 = arith.constant 0 : i32
      %dma_wait3A_751 = arith.constant 0 : i32
      %dma_wait3A_752 = tpu.memref_slice %arg4[%dma_wait3A_750, %dma_wait3A_751] : memref<819200x128xf32, #tpu.memory_space<hbm>> -> memref<400x64xf32, #tpu.memory_space<hbm>>
      %dma_wait3A_753 = arith.constant 0 : i32
      %dma_wait3A_754 = arith.constant 0 : i32
      %dma_wait3A_755 = tpu.memref_slice %arg6[%dma_wait3A_742, %dma_wait3A_753, %dma_wait3A_754] : memref<4x400x64xf32, #tpu.memory_space<vmem>> -> memref<1x400x64xf32, #tpu.memory_space<vmem>>
      %dma_wait3A_756 = tpu.memref_squeeze %dma_wait3A_755 : memref<1x400x64xf32, #tpu.memory_space<vmem>> -> memref<400x64xf32, #tpu.memory_space<vmem>>
      tpu.wait_dma2 semaphore(%arg14 : memref<!tpu.dma_semaphore, #tpu.memory_space<semaphore_mem>>) src(%dma_wait3A_756 : memref<400x64xf32, #tpu.memory_space<vmem>>) dst(%dma_wait3A_752 : memref<400x64xf32, #tpu.memory_space<hbm>>)
      %add3A_757 = arith.constant 4 : i32
      %add3A_758 = arith.addi %mul3A_388, %add3A_757 : i32
      %add3A_759 = arith.constant 3 : i32
      %add3A_760 = arith.addi %add3A_758, %add3A_759 : i32
      %mul3A_761 = arith.constant 2 : i32
      %mul3A_762 = arith.muli %add3A_760, %mul3A_761 : i32
      %add3A_763 = arith.constant 0 : i32
      %add3A_764 = arith.addi %mul3A_762, %add3A_763 : i32
      %dma_start3A_765 = arith.constant 3 : i32
      %dma_start3A_766 = arith.constant 0 : i32
      %dma_start3A_767 = arith.constant 0 : i32
      %dma_start3A_768 = tpu.memref_slice %arg6[%dma_start3A_765, %dma_start3A_766, %dma_start3A_767] : memref<4x400x64xf32, #tpu.memory_space<vmem>> -> memref<1x128x64xf32, #tpu.memory_space<vmem>>
      %dma_start3A_769 = tpu.memref_squeeze %dma_start3A_768 : memref<1x128x64xf32, #tpu.memory_space<vmem>> -> memref<128x64xf32, #tpu.memory_space<vmem>>
      %dma_start3A_770 = arith.constant 0 : i32
      %dma_start3A_771 = tpu.memref_slice %arg5[%add3A_764, %dma_start3A_770] : memref<128x200xi32, #tpu.memory_space<vmem>> -> memref<1x128xi32, #tpu.memory_space<vmem>>
      %dma_start3A_772 = tpu.memref_squeeze %dma_start3A_771 : memref<1x128xi32, #tpu.memory_space<vmem>> -> memref<128xi32, #tpu.memory_space<vmem>>
      %dma_start3A_773 = arith.constant 0 : i32
      %dma_start3A_774 = arith.constant 0 : i32
      %dma_start3A_775 = tpu.memref_slice %arg2[%dma_start3A_773, %dma_start3A_774] : memref<1000000x64xf32, #tpu.memory_space<hbm>> -> memref<1000000x64xf32, #tpu.memory_space<hbm>>
      tpu.enqueue_indirect_dma source(%dma_start3A_775 : memref<1000000x64xf32, #tpu.memory_space<hbm>>) target(%dma_start3A_769 : memref<128x64xf32, #tpu.memory_space<vmem>>) offsets(%dma_start3A_772 : memref<128xi32, #tpu.memory_space<vmem>>) semaphore(%arg10 : memref<!tpu.dma_semaphore, #tpu.memory_space<semaphore_mem>>)
      %dma_start3A_776 = arith.constant 3 : i32
      %dma_start3A_777 = arith.constant 128 : i32
      %dma_start3A_778 = arith.constant 0 : i32
      %dma_start3A_779 = tpu.memref_slice %arg6[%dma_start3A_776, %dma_start3A_777, %dma_start3A_778] : memref<4x400x64xf32, #tpu.memory_space<vmem>> -> memref<1x72x64xf32, #tpu.memory_space<vmem>>
      %dma_start3A_780 = tpu.memref_squeeze %dma_start3A_779 : memref<1x72x64xf32, #tpu.memory_space<vmem>> -> memref<72x64xf32, #tpu.memory_space<vmem>>
      %dma_start3A_781 = arith.constant 128 : i32
      %dma_start3A_782 = tpu.memref_slice %arg5[%add3A_764, %dma_start3A_781] : memref<128x200xi32, #tpu.memory_space<vmem>> -> memref<1x72xi32, #tpu.memory_space<vmem>>
      %dma_start3A_783 = tpu.memref_squeeze %dma_start3A_782 : memref<1x72xi32, #tpu.memory_space<vmem>> -> memref<72xi32, #tpu.memory_space<vmem>>
      %dma_start3A_784 = arith.constant 0 : i32
      %dma_start3A_785 = arith.constant 0 : i32
      %dma_start3A_786 = tpu.memref_slice %arg2[%dma_start3A_784, %dma_start3A_785] : memref<1000000x64xf32, #tpu.memory_space<hbm>> -> memref<1000000x64xf32, #tpu.memory_space<hbm>>
      tpu.enqueue_indirect_dma source(%dma_start3A_786 : memref<1000000x64xf32, #tpu.memory_space<hbm>>) target(%dma_start3A_780 : memref<72x64xf32, #tpu.memory_space<vmem>>) offsets(%dma_start3A_783 : memref<72xi32, #tpu.memory_space<vmem>>) semaphore(%arg10 : memref<!tpu.dma_semaphore, #tpu.memory_space<semaphore_mem>>)
      %mul3A_787 = arith.constant 2 : i32
      %mul3A_788 = arith.muli %add3A_760, %mul3A_787 : i32
      %add3A_789 = arith.constant 1 : i32
      %add3A_790 = arith.addi %mul3A_788, %add3A_789 : i32
      %dma_start3A_791 = arith.constant 3 : i32
      %dma_start3A_792 = arith.constant 200 : i32
      %dma_start3A_793 = arith.constant 0 : i32
      %dma_start3A_794 = tpu.memref_slice %arg6[%dma_start3A_791, %dma_start3A_792, %dma_start3A_793] : memref<4x400x64xf32, #tpu.memory_space<vmem>> -> memref<1x128x64xf32, #tpu.memory_space<vmem>>
      %dma_start3A_795 = tpu.memref_squeeze %dma_start3A_794 : memref<1x128x64xf32, #tpu.memory_space<vmem>> -> memref<128x64xf32, #tpu.memory_space<vmem>>
      %dma_start3A_796 = arith.constant 0 : i32
      %dma_start3A_797 = tpu.memref_slice %arg5[%add3A_790, %dma_start3A_796] : memref<128x200xi32, #tpu.memory_space<vmem>> -> memref<1x128xi32, #tpu.memory_space<vmem>>
      %dma_start3A_798 = tpu.memref_squeeze %dma_start3A_797 : memref<1x128xi32, #tpu.memory_space<vmem>> -> memref<128xi32, #tpu.memory_space<vmem>>
      %dma_start3A_799 = arith.constant 0 : i32
      %dma_start3A_800 = arith.constant 0 : i32
      %dma_start3A_801 = tpu.memref_slice %arg2[%dma_start3A_799, %dma_start3A_800] : memref<1000000x64xf32, #tpu.memory_space<hbm>> -> memref<1000000x64xf32, #tpu.memory_space<hbm>>
      tpu.enqueue_indirect_dma source(%dma_start3A_801 : memref<1000000x64xf32, #tpu.memory_space<hbm>>) target(%dma_start3A_795 : memref<128x64xf32, #tpu.memory_space<vmem>>) offsets(%dma_start3A_798 : memref<128xi32, #tpu.memory_space<vmem>>) semaphore(%arg10 : memref<!tpu.dma_semaphore, #tpu.memory_space<semaphore_mem>>)
      %dma_start3A_802 = arith.constant 3 : i32
      %dma_start3A_803 = arith.constant 328 : i32
      %dma_start3A_804 = arith.constant 0 : i32
      %dma_start3A_805 = tpu.memref_slice %arg6[%dma_start3A_802, %dma_start3A_803, %dma_start3A_804] : memref<4x400x64xf32, #tpu.memory_space<vmem>> -> memref<1x72x64xf32, #tpu.memory_space<vmem>>
      %dma_start3A_806 = tpu.memref_squeeze %dma_start3A_805 : memref<1x72x64xf32, #tpu.memory_space<vmem>> -> memref<72x64xf32, #tpu.memory_space<vmem>>
      %dma_start3A_807 = arith.constant 128 : i32
      %dma_start3A_808 = tpu.memref_slice %arg5[%add3A_790, %dma_start3A_807] : memref<128x200xi32, #tpu.memory_space<vmem>> -> memref<1x72xi32, #tpu.memory_space<vmem>>
      %dma_start3A_809 = tpu.memref_squeeze %dma_start3A_808 : memref<1x72xi32, #tpu.memory_space<vmem>> -> memref<72xi32, #tpu.memory_space<vmem>>
      %dma_start3A_810 = arith.constant 0 : i32
      %dma_start3A_811 = arith.constant 0 : i32
      %dma_start3A_812 = tpu.memref_slice %arg2[%dma_start3A_810, %dma_start3A_811] : memref<1000000x64xf32, #tpu.memory_space<hbm>> -> memref<1000000x64xf32, #tpu.memory_space<hbm>>
      tpu.enqueue_indirect_dma source(%dma_start3A_812 : memref<1000000x64xf32, #tpu.memory_space<hbm>>) target(%dma_start3A_806 : memref<72x64xf32, #tpu.memory_space<vmem>>) offsets(%dma_start3A_809 : memref<72xi32, #tpu.memory_space<vmem>>) semaphore(%arg10 : memref<!tpu.dma_semaphore, #tpu.memory_space<semaphore_mem>>)
    }
    %scan3A_198 = arith.constant 15 : i32
    %dma_wait3A = arith.constant 0 : i32
    %dma_wait3A_199 = arith.constant 0 : i32
    %dma_wait3A_200 = arith.constant 0 : i32
    %dma_wait3A_201 = tpu.memref_slice %arg6[%dma_wait3A, %dma_wait3A_199, %dma_wait3A_200] : memref<4x400x64xf32, #tpu.memory_space<vmem>> -> memref<1x400x64xf32, #tpu.memory_space<vmem>>
    %dma_wait3A_202 = tpu.memref_squeeze %dma_wait3A_201 : memref<1x400x64xf32, #tpu.memory_space<vmem>> -> memref<400x64xf32, #tpu.memory_space<vmem>>
    %dma_wait3A_203 = arith.constant 0 : i32
    %dma_wait3A_204 = arith.constant 0 : i32
    %dma_wait3A_205 = tpu.memref_slice %arg4[%dma_wait3A_203, %dma_wait3A_204] : memref<819200x128xf32, #tpu.memory_space<hbm>> -> memref<400x64xf32, #tpu.memory_space<hbm>>
    %dma_wait3A_206 = arith.constant 0 : i32
    %dma_wait3A_207 = arith.constant 0 : i32
    %dma_wait3A_208 = tpu.memref_slice %arg6[%dma_wait3A, %dma_wait3A_206, %dma_wait3A_207] : memref<4x400x64xf32, #tpu.memory_space<vmem>> -> memref<1x400x64xf32, #tpu.memory_space<vmem>>
    %dma_wait3A_209 = tpu.memref_squeeze %dma_wait3A_208 : memref<1x400x64xf32, #tpu.memory_space<vmem>> -> memref<400x64xf32, #tpu.memory_space<vmem>>
    %dma_wait3A_210 = arith.constant 0 : i32
    %dma_wait3A_211 = arith.constant 0 : i32
    %dma_wait3A_212 = tpu.memref_slice %arg4[%dma_wait3A_210, %dma_wait3A_211] : memref<819200x128xf32, #tpu.memory_space<hbm>> -> memref<400x64xf32, #tpu.memory_space<hbm>>
    tpu.wait_dma2 semaphore(%arg7 : memref<!tpu.dma_semaphore, #tpu.memory_space<semaphore_mem>>) src(%dma_wait3A_212 : memref<400x64xf32, #tpu.memory_space<hbm>>) dst(%dma_wait3A_209 : memref<400x64xf32, #tpu.memory_space<vmem>>)
    %add3A_213 = arith.constant 120 : i32
    %add3A_214 = arith.addi %mul3A_2, %add3A_213 : i32
    %mul3A_215 = arith.constant 200 : i32
    %mul3A_216 = arith.muli %add3A_214, %mul3A_215 : i32
    %dma_start3A_217 = arith.constant 0 : i32
    %dma_start3A_218 = arith.constant 0 : i32
    %dma_start3A_219 = arith.constant 0 : i32
    %dma_start3A_220 = tpu.memref_slice %arg6[%dma_start3A_217, %dma_start3A_218, %dma_start3A_219] : memref<4x400x64xf32, #tpu.memory_space<vmem>> -> memref<1x400x64xf32, #tpu.memory_space<vmem>>
    %dma_start3A_221 = tpu.memref_squeeze %dma_start3A_220 : memref<1x400x64xf32, #tpu.memory_space<vmem>> -> memref<400x64xf32, #tpu.memory_space<vmem>>
    %dma_start3A_222 = arith.constant 0 : i32
    %dma_start3A_223 = tpu.memref_slice %arg4[%mul3A_216, %dma_start3A_222] : memref<819200x128xf32, #tpu.memory_space<hbm>> -> memref<400x64xf32, #tpu.memory_space<hbm>>
    %dma_start3A_224 = arith.constant 0 : i32
    %dma_start3A_225 = tpu.memref_slice %arg4[%mul3A_216, %dma_start3A_224] : memref<819200x128xf32, #tpu.memory_space<hbm>> -> memref<400x64xf32, #tpu.memory_space<hbm>>
    %dma_start3A_226 = arith.constant 0 : i32
    %dma_start3A_227 = arith.constant 0 : i32
    %dma_start3A_228 = tpu.memref_slice %arg6[%dma_start3A_217, %dma_start3A_226, %dma_start3A_227] : memref<4x400x64xf32, #tpu.memory_space<vmem>> -> memref<1x400x64xf32, #tpu.memory_space<vmem>>
    %dma_start3A_229 = tpu.memref_squeeze %dma_start3A_228 : memref<1x400x64xf32, #tpu.memory_space<vmem>> -> memref<400x64xf32, #tpu.memory_space<vmem>>
    tpu.enqueue_dma source(%dma_start3A_229 : memref<400x64xf32, #tpu.memory_space<vmem>>) target(%dma_start3A_225 : memref<400x64xf32, #tpu.memory_space<hbm>>) target_semaphore(%arg11 : memref<!tpu.dma_semaphore, #tpu.memory_space<semaphore_mem>>)
    %dma_wait3A_230 = arith.constant 1 : i32
    %dma_wait3A_231 = arith.constant 0 : i32
    %dma_wait3A_232 = arith.constant 0 : i32
    %dma_wait3A_233 = tpu.memref_slice %arg6[%dma_wait3A_230, %dma_wait3A_231, %dma_wait3A_232] : memref<4x400x64xf32, #tpu.memory_space<vmem>> -> memref<1x400x64xf32, #tpu.memory_space<vmem>>
    %dma_wait3A_234 = tpu.memref_squeeze %dma_wait3A_233 : memref<1x400x64xf32, #tpu.memory_space<vmem>> -> memref<400x64xf32, #tpu.memory_space<vmem>>
    %dma_wait3A_235 = arith.constant 0 : i32
    %dma_wait3A_236 = arith.constant 0 : i32
    %dma_wait3A_237 = tpu.memref_slice %arg4[%dma_wait3A_235, %dma_wait3A_236] : memref<819200x128xf32, #tpu.memory_space<hbm>> -> memref<400x64xf32, #tpu.memory_space<hbm>>
    %dma_wait3A_238 = arith.constant 0 : i32
    %dma_wait3A_239 = arith.constant 0 : i32
    %dma_wait3A_240 = tpu.memref_slice %arg6[%dma_wait3A_230, %dma_wait3A_238, %dma_wait3A_239] : memref<4x400x64xf32, #tpu.memory_space<vmem>> -> memref<1x400x64xf32, #tpu.memory_space<vmem>>
    %dma_wait3A_241 = tpu.memref_squeeze %dma_wait3A_240 : memref<1x400x64xf32, #tpu.memory_space<vmem>> -> memref<400x64xf32, #tpu.memory_space<vmem>>
    %dma_wait3A_242 = arith.constant 0 : i32
    %dma_wait3A_243 = arith.constant 0 : i32
    %dma_wait3A_244 = tpu.memref_slice %arg4[%dma_wait3A_242, %dma_wait3A_243] : memref<819200x128xf32, #tpu.memory_space<hbm>> -> memref<400x64xf32, #tpu.memory_space<hbm>>
    tpu.wait_dma2 semaphore(%arg8 : memref<!tpu.dma_semaphore, #tpu.memory_space<semaphore_mem>>) src(%dma_wait3A_244 : memref<400x64xf32, #tpu.memory_space<hbm>>) dst(%dma_wait3A_241 : memref<400x64xf32, #tpu.memory_space<vmem>>)
    %add3A_245 = arith.constant 122 : i32
    %add3A_246 = arith.addi %mul3A_2, %add3A_245 : i32
    %mul3A_247 = arith.constant 200 : i32
    %mul3A_248 = arith.muli %add3A_246, %mul3A_247 : i32
    %dma_start3A_249 = arith.constant 1 : i32
    %dma_start3A_250 = arith.constant 0 : i32
    %dma_start3A_251 = arith.constant 0 : i32
    %dma_start3A_252 = tpu.memref_slice %arg6[%dma_start3A_249, %dma_start3A_250, %dma_start3A_251] : memref<4x400x64xf32, #tpu.memory_space<vmem>> -> memref<1x400x64xf32, #tpu.memory_space<vmem>>
    %dma_start3A_253 = tpu.memref_squeeze %dma_start3A_252 : memref<1x400x64xf32, #tpu.memory_space<vmem>> -> memref<400x64xf32, #tpu.memory_space<vmem>>
    %dma_start3A_254 = arith.constant 0 : i32
    %dma_start3A_255 = tpu.memref_slice %arg4[%mul3A_248, %dma_start3A_254] : memref<819200x128xf32, #tpu.memory_space<hbm>> -> memref<400x64xf32, #tpu.memory_space<hbm>>
    %dma_start3A_256 = arith.constant 0 : i32
    %dma_start3A_257 = tpu.memref_slice %arg4[%mul3A_248, %dma_start3A_256] : memref<819200x128xf32, #tpu.memory_space<hbm>> -> memref<400x64xf32, #tpu.memory_space<hbm>>
    %dma_start3A_258 = arith.constant 0 : i32
    %dma_start3A_259 = arith.constant 0 : i32
    %dma_start3A_260 = tpu.memref_slice %arg6[%dma_start3A_249, %dma_start3A_258, %dma_start3A_259] : memref<4x400x64xf32, #tpu.memory_space<vmem>> -> memref<1x400x64xf32, #tpu.memory_space<vmem>>
    %dma_start3A_261 = tpu.memref_squeeze %dma_start3A_260 : memref<1x400x64xf32, #tpu.memory_space<vmem>> -> memref<400x64xf32, #tpu.memory_space<vmem>>
    tpu.enqueue_dma source(%dma_start3A_261 : memref<400x64xf32, #tpu.memory_space<vmem>>) target(%dma_start3A_257 : memref<400x64xf32, #tpu.memory_space<hbm>>) target_semaphore(%arg12 : memref<!tpu.dma_semaphore, #tpu.memory_space<semaphore_mem>>)
    %dma_wait3A_262 = arith.constant 2 : i32
    %dma_wait3A_263 = arith.constant 0 : i32
    %dma_wait3A_264 = arith.constant 0 : i32
    %dma_wait3A_265 = tpu.memref_slice %arg6[%dma_wait3A_262, %dma_wait3A_263, %dma_wait3A_264] : memref<4x400x64xf32, #tpu.memory_space<vmem>> -> memref<1x400x64xf32, #tpu.memory_space<vmem>>
    %dma_wait3A_266 = tpu.memref_squeeze %dma_wait3A_265 : memref<1x400x64xf32, #tpu.memory_space<vmem>> -> memref<400x64xf32, #tpu.memory_space<vmem>>
    %dma_wait3A_267 = arith.constant 0 : i32
    %dma_wait3A_268 = arith.constant 0 : i32
    %dma_wait3A_269 = tpu.memref_slice %arg4[%dma_wait3A_267, %dma_wait3A_268] : memref<819200x128xf32, #tpu.memory_space<hbm>> -> memref<400x64xf32, #tpu.memory_space<hbm>>
    %dma_wait3A_270 = arith.constant 0 : i32
    %dma_wait3A_271 = arith.constant 0 : i32
    %dma_wait3A_272 = tpu.memref_slice %arg6[%dma_wait3A_262, %dma_wait3A_270, %dma_wait3A_271] : memref<4x400x64xf32, #tpu.memory_space<vmem>> -> memref<1x400x64xf32, #tpu.memory_space<vmem>>
    %dma_wait3A_273 = tpu.memref_squeeze %dma_wait3A_272 : memref<1x400x64xf32, #tpu.memory_space<vmem>> -> memref<400x64xf32, #tpu.memory_space<vmem>>
    %dma_wait3A_274 = arith.constant 0 : i32
    %dma_wait3A_275 = arith.constant 0 : i32
    %dma_wait3A_276 = tpu.memref_slice %arg4[%dma_wait3A_274, %dma_wait3A_275] : memref<819200x128xf32, #tpu.memory_space<hbm>> -> memref<400x64xf32, #tpu.memory_space<hbm>>
    tpu.wait_dma2 semaphore(%arg9 : memref<!tpu.dma_semaphore, #tpu.memory_space<semaphore_mem>>) src(%dma_wait3A_276 : memref<400x64xf32, #tpu.memory_space<hbm>>) dst(%dma_wait3A_273 : memref<400x64xf32, #tpu.memory_space<vmem>>)
    %add3A_277 = arith.constant 124 : i32
    %add3A_278 = arith.addi %mul3A_2, %add3A_277 : i32
    %mul3A_279 = arith.constant 200 : i32
    %mul3A_280 = arith.muli %add3A_278, %mul3A_279 : i32
    %dma_start3A_281 = arith.constant 2 : i32
    %dma_start3A_282 = arith.constant 0 : i32
    %dma_start3A_283 = arith.constant 0 : i32
    %dma_start3A_284 = tpu.memref_slice %arg6[%dma_start3A_281, %dma_start3A_282, %dma_start3A_283] : memref<4x400x64xf32, #tpu.memory_space<vmem>> -> memref<1x400x64xf32, #tpu.memory_space<vmem>>
    %dma_start3A_285 = tpu.memref_squeeze %dma_start3A_284 : memref<1x400x64xf32, #tpu.memory_space<vmem>> -> memref<400x64xf32, #tpu.memory_space<vmem>>
    %dma_start3A_286 = arith.constant 0 : i32
    %dma_start3A_287 = tpu.memref_slice %arg4[%mul3A_280, %dma_start3A_286] : memref<819200x128xf32, #tpu.memory_space<hbm>> -> memref<400x64xf32, #tpu.memory_space<hbm>>
    %dma_start3A_288 = arith.constant 0 : i32
    %dma_start3A_289 = tpu.memref_slice %arg4[%mul3A_280, %dma_start3A_288] : memref<819200x128xf32, #tpu.memory_space<hbm>> -> memref<400x64xf32, #tpu.memory_space<hbm>>
    %dma_start3A_290 = arith.constant 0 : i32
    %dma_start3A_291 = arith.constant 0 : i32
    %dma_start3A_292 = tpu.memref_slice %arg6[%dma_start3A_281, %dma_start3A_290, %dma_start3A_291] : memref<4x400x64xf32, #tpu.memory_space<vmem>> -> memref<1x400x64xf32, #tpu.memory_space<vmem>>
    %dma_start3A_293 = tpu.memref_squeeze %dma_start3A_292 : memref<1x400x64xf32, #tpu.memory_space<vmem>> -> memref<400x64xf32, #tpu.memory_space<vmem>>
    tpu.enqueue_dma source(%dma_start3A_293 : memref<400x64xf32, #tpu.memory_space<vmem>>) target(%dma_start3A_289 : memref<400x64xf32, #tpu.memory_space<hbm>>) target_semaphore(%arg13 : memref<!tpu.dma_semaphore, #tpu.memory_space<semaphore_mem>>)
    %dma_wait3A_294 = arith.constant 3 : i32
    %dma_wait3A_295 = arith.constant 0 : i32
    %dma_wait3A_296 = arith.constant 0 : i32
    %dma_wait3A_297 = tpu.memref_slice %arg6[%dma_wait3A_294, %dma_wait3A_295, %dma_wait3A_296] : memref<4x400x64xf32, #tpu.memory_space<vmem>> -> memref<1x400x64xf32, #tpu.memory_space<vmem>>
    %dma_wait3A_298 = tpu.memref_squeeze %dma_wait3A_297 : memref<1x400x64xf32, #tpu.memory_space<vmem>> -> memref<400x64xf32, #tpu.memory_space<vmem>>
    %dma_wait3A_299 = arith.constant 0 : i32
    %dma_wait3A_300 = arith.constant 0 : i32
    %dma_wait3A_301 = tpu.memref_slice %arg4[%dma_wait3A_299, %dma_wait3A_300] : memref<819200x128xf32, #tpu.memory_space<hbm>> -> memref<400x64xf32, #tpu.memory_space<hbm>>
    %dma_wait3A_302 = arith.constant 0 : i32
    %dma_wait3A_303 = arith.constant 0 : i32
    %dma_wait3A_304 = tpu.memref_slice %arg6[%dma_wait3A_294, %dma_wait3A_302, %dma_wait3A_303] : memref<4x400x64xf32, #tpu.memory_space<vmem>> -> memref<1x400x64xf32, #tpu.memory_space<vmem>>
    %dma_wait3A_305 = tpu.memref_squeeze %dma_wait3A_304 : memref<1x400x64xf32, #tpu.memory_space<vmem>> -> memref<400x64xf32, #tpu.memory_space<vmem>>
    %dma_wait3A_306 = arith.constant 0 : i32
    %dma_wait3A_307 = arith.constant 0 : i32
    %dma_wait3A_308 = tpu.memref_slice %arg4[%dma_wait3A_306, %dma_wait3A_307] : memref<819200x128xf32, #tpu.memory_space<hbm>> -> memref<400x64xf32, #tpu.memory_space<hbm>>
    tpu.wait_dma2 semaphore(%arg10 : memref<!tpu.dma_semaphore, #tpu.memory_space<semaphore_mem>>) src(%dma_wait3A_308 : memref<400x64xf32, #tpu.memory_space<hbm>>) dst(%dma_wait3A_305 : memref<400x64xf32, #tpu.memory_space<vmem>>)
    %add3A_309 = arith.constant 126 : i32
    %add3A_310 = arith.addi %mul3A_2, %add3A_309 : i32
    %mul3A_311 = arith.constant 200 : i32
    %mul3A_312 = arith.muli %add3A_310, %mul3A_311 : i32
    %dma_start3A_313 = arith.constant 3 : i32
    %dma_start3A_314 = arith.constant 0 : i32
    %dma_start3A_315 = arith.constant 0 : i32
    %dma_start3A_316 = tpu.memref_slice %arg6[%dma_start3A_313, %dma_start3A_314, %dma_start3A_315] : memref<4x400x64xf32, #tpu.memory_space<vmem>> -> memref<1x400x64xf32, #tpu.memory_space<vmem>>
    %dma_start3A_317 = tpu.memref_squeeze %dma_start3A_316 : memref<1x400x64xf32, #tpu.memory_space<vmem>> -> memref<400x64xf32, #tpu.memory_space<vmem>>
    %dma_start3A_318 = arith.constant 0 : i32
    %dma_start3A_319 = tpu.memref_slice %arg4[%mul3A_312, %dma_start3A_318] : memref<819200x128xf32, #tpu.memory_space<hbm>> -> memref<400x64xf32, #tpu.memory_space<hbm>>
    %dma_start3A_320 = arith.constant 0 : i32
    %dma_start3A_321 = tpu.memref_slice %arg4[%mul3A_312, %dma_start3A_320] : memref<819200x128xf32, #tpu.memory_space<hbm>> -> memref<400x64xf32, #tpu.memory_space<hbm>>
    %dma_start3A_322 = arith.constant 0 : i32
    %dma_start3A_323 = arith.constant 0 : i32
    %dma_start3A_324 = tpu.memref_slice %arg6[%dma_start3A_313, %dma_start3A_322, %dma_start3A_323] : memref<4x400x64xf32, #tpu.memory_space<vmem>> -> memref<1x400x64xf32, #tpu.memory_space<vmem>>
    %dma_start3A_325 = tpu.memref_squeeze %dma_start3A_324 : memref<1x400x64xf32, #tpu.memory_space<vmem>> -> memref<400x64xf32, #tpu.memory_space<vmem>>
    tpu.enqueue_dma source(%dma_start3A_325 : memref<400x64xf32, #tpu.memory_space<vmem>>) target(%dma_start3A_321 : memref<400x64xf32, #tpu.memory_space<hbm>>) target_semaphore(%arg14 : memref<!tpu.dma_semaphore, #tpu.memory_space<semaphore_mem>>)
    %dma_wait3A_326 = arith.constant 0 : i32
    %dma_wait3A_327 = arith.constant 0 : i32
    %dma_wait3A_328 = arith.constant 0 : i32
    %dma_wait3A_329 = tpu.memref_slice %arg6[%dma_wait3A_326, %dma_wait3A_327, %dma_wait3A_328] : memref<4x400x64xf32, #tpu.memory_space<vmem>> -> memref<1x400x64xf32, #tpu.memory_space<vmem>>
    %dma_wait3A_330 = tpu.memref_squeeze %dma_wait3A_329 : memref<1x400x64xf32, #tpu.memory_space<vmem>> -> memref<400x64xf32, #tpu.memory_space<vmem>>
    %dma_wait3A_331 = arith.constant 0 : i32
    %dma_wait3A_332 = arith.constant 0 : i32
    %dma_wait3A_333 = tpu.memref_slice %arg4[%dma_wait3A_331, %dma_wait3A_332] : memref<819200x128xf32, #tpu.memory_space<hbm>> -> memref<400x64xf32, #tpu.memory_space<hbm>>
    %dma_wait3A_334 = arith.constant 0 : i32
    %dma_wait3A_335 = arith.constant 0 : i32
    %dma_wait3A_336 = tpu.memref_slice %arg4[%dma_wait3A_334, %dma_wait3A_335] : memref<819200x128xf32, #tpu.memory_space<hbm>> -> memref<400x64xf32, #tpu.memory_space<hbm>>
    %dma_wait3A_337 = arith.constant 0 : i32
    %dma_wait3A_338 = arith.constant 0 : i32
    %dma_wait3A_339 = tpu.memref_slice %arg6[%dma_wait3A_326, %dma_wait3A_337, %dma_wait3A_338] : memref<4x400x64xf32, #tpu.memory_space<vmem>> -> memref<1x400x64xf32, #tpu.memory_space<vmem>>
    %dma_wait3A_340 = tpu.memref_squeeze %dma_wait3A_339 : memref<1x400x64xf32, #tpu.memory_space<vmem>> -> memref<400x64xf32, #tpu.memory_space<vmem>>
    tpu.wait_dma2 semaphore(%arg11 : memref<!tpu.dma_semaphore, #tpu.memory_space<semaphore_mem>>) src(%dma_wait3A_340 : memref<400x64xf32, #tpu.memory_space<vmem>>) dst(%dma_wait3A_336 : memref<400x64xf32, #tpu.memory_space<hbm>>)
    %dma_wait3A_341 = arith.constant 1 : i32
    %dma_wait3A_342 = arith.constant 0 : i32
    %dma_wait3A_343 = arith.constant 0 : i32
    %dma_wait3A_344 = tpu.memref_slice %arg6[%dma_wait3A_341, %dma_wait3A_342, %dma_wait3A_343] : memref<4x400x64xf32, #tpu.memory_space<vmem>> -> memref<1x400x64xf32, #tpu.memory_space<vmem>>
    %dma_wait3A_345 = tpu.memref_squeeze %dma_wait3A_344 : memref<1x400x64xf32, #tpu.memory_space<vmem>> -> memref<400x64xf32, #tpu.memory_space<vmem>>
    %dma_wait3A_346 = arith.constant 0 : i32
    %dma_wait3A_347 = arith.constant 0 : i32
    %dma_wait3A_348 = tpu.memref_slice %arg4[%dma_wait3A_346, %dma_wait3A_347] : memref<819200x128xf32, #tpu.memory_space<hbm>> -> memref<400x64xf32, #tpu.memory_space<hbm>>
    %dma_wait3A_349 = arith.constant 0 : i32
    %dma_wait3A_350 = arith.constant 0 : i32
    %dma_wait3A_351 = tpu.memref_slice %arg4[%dma_wait3A_349, %dma_wait3A_350] : memref<819200x128xf32, #tpu.memory_space<hbm>> -> memref<400x64xf32, #tpu.memory_space<hbm>>
    %dma_wait3A_352 = arith.constant 0 : i32
    %dma_wait3A_353 = arith.constant 0 : i32
    %dma_wait3A_354 = tpu.memref_slice %arg6[%dma_wait3A_341, %dma_wait3A_352, %dma_wait3A_353] : memref<4x400x64xf32, #tpu.memory_space<vmem>> -> memref<1x400x64xf32, #tpu.memory_space<vmem>>
    %dma_wait3A_355 = tpu.memref_squeeze %dma_wait3A_354 : memref<1x400x64xf32, #tpu.memory_space<vmem>> -> memref<400x64xf32, #tpu.memory_space<vmem>>
    tpu.wait_dma2 semaphore(%arg12 : memref<!tpu.dma_semaphore, #tpu.memory_space<semaphore_mem>>) src(%dma_wait3A_355 : memref<400x64xf32, #tpu.memory_space<vmem>>) dst(%dma_wait3A_351 : memref<400x64xf32, #tpu.memory_space<hbm>>)
    %dma_wait3A_356 = arith.constant 2 : i32
    %dma_wait3A_357 = arith.constant 0 : i32
    %dma_wait3A_358 = arith.constant 0 : i32
    %dma_wait3A_359 = tpu.memref_slice %arg6[%dma_wait3A_356, %dma_wait3A_357, %dma_wait3A_358] : memref<4x400x64xf32, #tpu.memory_space<vmem>> -> memref<1x400x64xf32, #tpu.memory_space<vmem>>
    %dma_wait3A_360 = tpu.memref_squeeze %dma_wait3A_359 : memref<1x400x64xf32, #tpu.memory_space<vmem>> -> memref<400x64xf32, #tpu.memory_space<vmem>>
    %dma_wait3A_361 = arith.constant 0 : i32
    %dma_wait3A_362 = arith.constant 0 : i32
    %dma_wait3A_363 = tpu.memref_slice %arg4[%dma_wait3A_361, %dma_wait3A_362] : memref<819200x128xf32, #tpu.memory_space<hbm>> -> memref<400x64xf32, #tpu.memory_space<hbm>>
    %dma_wait3A_364 = arith.constant 0 : i32
    %dma_wait3A_365 = arith.constant 0 : i32
    %dma_wait3A_366 = tpu.memref_slice %arg4[%dma_wait3A_364, %dma_wait3A_365] : memref<819200x128xf32, #tpu.memory_space<hbm>> -> memref<400x64xf32, #tpu.memory_space<hbm>>
    %dma_wait3A_367 = arith.constant 0 : i32
    %dma_wait3A_368 = arith.constant 0 : i32
    %dma_wait3A_369 = tpu.memref_slice %arg6[%dma_wait3A_356, %dma_wait3A_367, %dma_wait3A_368] : memref<4x400x64xf32, #tpu.memory_space<vmem>> -> memref<1x400x64xf32, #tpu.memory_space<vmem>>
    %dma_wait3A_370 = tpu.memref_squeeze %dma_wait3A_369 : memref<1x400x64xf32, #tpu.memory_space<vmem>> -> memref<400x64xf32, #tpu.memory_space<vmem>>
    tpu.wait_dma2 semaphore(%arg13 : memref<!tpu.dma_semaphore, #tpu.memory_space<semaphore_mem>>) src(%dma_wait3A_370 : memref<400x64xf32, #tpu.memory_space<vmem>>) dst(%dma_wait3A_366 : memref<400x64xf32, #tpu.memory_space<hbm>>)
    %dma_wait3A_371 = arith.constant 3 : i32
    %dma_wait3A_372 = arith.constant 0 : i32
    %dma_wait3A_373 = arith.constant 0 : i32
    %dma_wait3A_374 = tpu.memref_slice %arg6[%dma_wait3A_371, %dma_wait3A_372, %dma_wait3A_373] : memref<4x400x64xf32, #tpu.memory_space<vmem>> -> memref<1x400x64xf32, #tpu.memory_space<vmem>>
    %dma_wait3A_375 = tpu.memref_squeeze %dma_wait3A_374 : memref<1x400x64xf32, #tpu.memory_space<vmem>> -> memref<400x64xf32, #tpu.memory_space<vmem>>
    %dma_wait3A_376 = arith.constant 0 : i32
    %dma_wait3A_377 = arith.constant 0 : i32
    %dma_wait3A_378 = tpu.memref_slice %arg4[%dma_wait3A_376, %dma_wait3A_377] : memref<819200x128xf32, #tpu.memory_space<hbm>> -> memref<400x64xf32, #tpu.memory_space<hbm>>
    %dma_wait3A_379 = arith.constant 0 : i32
    %dma_wait3A_380 = arith.constant 0 : i32
    %dma_wait3A_381 = tpu.memref_slice %arg4[%dma_wait3A_379, %dma_wait3A_380] : memref<819200x128xf32, #tpu.memory_space<hbm>> -> memref<400x64xf32, #tpu.memory_space<hbm>>
    %dma_wait3A_382 = arith.constant 0 : i32
    %dma_wait3A_383 = arith.constant 0 : i32
    %dma_wait3A_384 = tpu.memref_slice %arg6[%dma_wait3A_371, %dma_wait3A_382, %dma_wait3A_383] : memref<4x400x64xf32, #tpu.memory_space<vmem>> -> memref<1x400x64xf32, #tpu.memory_space<vmem>>
    %dma_wait3A_385 = tpu.memref_squeeze %dma_wait3A_384 : memref<1x400x64xf32, #tpu.memory_space<vmem>> -> memref<400x64xf32, #tpu.memory_space<vmem>>
    tpu.wait_dma2 semaphore(%arg14 : memref<!tpu.dma_semaphore, #tpu.memory_space<semaphore_mem>>) src(%dma_wait3A_385 : memref<400x64xf32, #tpu.memory_space<vmem>>) dst(%dma_wait3A_381 : memref<400x64xf32, #tpu.memory_space<hbm>>)
    return
  }
}

</mosaic_0001>

<sc_bundles>
// kernel: kernel.3.cloned.1.call-start
scs
__scs_entry_jumppad:
0x0: {  	(pc) =	sbr.rel $0x88, $3  }
0x1: {  	(tag) =	ssettag $0x0;
	lr =	simm.s32 $0x1  }
0x2: {  	[smem:$0x3F9F] =	sst lr;
	_ =	strace $0xD0000000  }
0x3: {  	_ = 	snop  }
0x4: {  	_ = 	snop  }
0x5: {  	_ = 	snop  }
0x6: {  	_ = 	snop  }
0x7: {  	_ = 	snop  }
__scs_overlays_trampoline_lowered:
0x8: {  	[smem:$0x3FAE] =	sst s0  }
0x9: {  	[smem:$0x3FAF] =	sst s1  }
0xa: {  	[smem:$0x3FB0] =	sst s2  }
0xb: {  	[smem:$0x3FB1] =	sst s3  }
0xc: {  	[smem:$0x3FB2] =	sst s4  }
0xd: {  	[smem:$0x3FB3] =	sst s5  }
0xe: {  	[smem:$0x3FB4] =	sst s6  }
0xf: {  	[smem:$0x3FB5] =	sst s7  }
0x10: {  	[smem:$0x3FB6] =	sst s8  }
0x11: {  	[smem:$0x3FB7] =	sst s9;
	s0 =	simm.s32 @!p0 $0x0  }
0x12: {  	s1 =	sld [smem:$0x3F9D];
	s0 =	simm.s32 @p0 $0x1  }
0x13: {  	[smem:$0x3FB8] =	sst s0;
	s0 =	simm.s32 @!p1 $0x0  }
0x14: {  	s2 =	sld [smem:$0x3F9C];
	s0 =	simm.s32 @p1 $0x1  }
0x15: {  	[smem:$0x3FB9] =	sst s0;
	s0 =	simm.s32 @!p2 $0x0  }
0x16: {  	s3 =	sld [smem:$0x3FDB];
	s0 =	simm.s32 @p2 $0x1  }
0x17: {  	s4 =	simm.s32 $0x1BF5;
	[smem:$0x3FBB] =	sst s0  }
0x18: {  	s0 =	sld [smem:$0x3F9E];
	_ =	swait.ge [sflag:s4], $0x0  }
0x19: {  	s7 =	sld [smem:$0x3F9F]  }
0x1a: {  	s8 =	sadd.s32 $0xFFFFE003, lr  }
0x1b: {  	s9 =	sadd.s32 $0xFFFFFEF7, lr;
	s5 =	simm.s32 $0xFFFFFFFF;
	p2 =	slt.u32 s8, $0xFFFFF086  }
0x1c: {  	p1 =	slt.u32 s9, $0xF7A;
	s5 =	simm.s32 @!p2 $0x0  }
0x1d: {  	s5 =	simm.s32 @p1 $0x1;
	p0 =	seq.s32 s7, s2  }
0x1e: {  	s7 =	smul.u32 @!p0 $0xF7A, s2;
	p2 =	seq.s32 @!p0 s5, $0x0  }
0x1f: {  	s9 =	smul.u32 $0xF7A, s1;
	s8 =	simm.s32 @!p0 $0x1BF5;
	p2 =	por !p2, p0  }
0x20: {  	[sflag:s8] =	ssyncset.s32 @!p0 $0xFFFFF086;
	s6 =	sadd.s32 @!p0 s3, s7;
	s7 =	simm.s32 @!p0 $0x108  }
0x21: {  	s3 =	sadd.s32 s3, s9;
	s6 =	sadd.s32 @!p0 $0x88, s6;
	s7 =	simm.s32 @p2 $0x1082  }
0x22: {  	[simem:s7], [sflag:s8] =	dma.local @!p0 [hbm:s6], $0xF7A  }
0x23: {  	s9 =	sor.u32 $0xD0000000, s2;
	s6 =	simm.s32 $0x108;
	_ =	swait.ge @!p0 [sflag:s8], $0x0  }
0x24: {  	s3 =	sadd.s32 $0x88, s3;
	s6 =	simm.s32 @!p1 $0x1082;
	[sflag:s4] =	ssyncset.s32 $0xFFFFF086  }
0x25: {  	[simem:s6], [sflag:s4] =	dma.local [hbm:s3], $0xF7A  }
0x26: {  	[smem:$0x3F9F] =	sst s1;
	(tag) =	ssettag s2;
	_ =	strace s9  }
0x27: {  	s1 =	sld [smem:$0x3FAF]  }
0x28: {  	s2 =	sld [smem:$0x3FB0]  }
0x29: {  	s4 =	sld [smem:$0x3FB2]  }
0x2a: {  	p0 =	seq.s32 s5, $0x0;
	s5 =	sld [smem:$0x3FB3]  }
0x2b: {  	s6 =	sld [smem:$0x3FB4]  }
0x2c: {  	s7 =	sld [smem:$0x3FB5]  }
0x2d: {  	s3 =	simm.s32 $0x108;
	s8 =	sld [smem:$0x3FB6]  }
0x2e: {  	s3 =	simm.s32 @!p0 $0x1082;
	s9 =	sld [smem:$0x3FB7]  }
0x2f: {  	lr =	sadd.s32 s0, s3;
	s0 =	sld [smem:$0x3FAE]  }
0x30: {  	s3 =	sld [smem:$0x3FB1]  }
0x31: {  	[smem:$0x3FBA] =	sst s10  }
0x32: {  	s10 =	sld [smem:$0x3FB8];
	_ =	sdelay $0x3  }
0x33: {  	p0 =	seq.s32 s10, $0x1;
	s10 =	sld [smem:$0x3FBA];
	_ =	sdelay $0x3  }
0x34: {  	[smem:$0x3FBA] =	sst s10  }
0x35: {  	s10 =	sld [smem:$0x3FB9];
	_ =	sdelay $0x3  }
0x36: {  	p1 =	seq.s32 s10, $0x1;
	s10 =	sld [smem:$0x3FBA];
	_ =	sdelay $0x3  }
0x37: {  	[smem:$0x3FBA] =	sst s10  }
0x38: {  	s10 =	sld [smem:$0x3FBB]  }
0x39: {  	_ = 	snop;
	(pc) =	sbr.ind lr, $3  }
0x3a: {  	_ = 	snop  }
0x3b: {  	_ = 	snop  }
0x3c: {  	p2 =	seq.s32 s10, $0x1;
	s10 =	sld [smem:$0x3FBA]  }
0x3d: {  	_ =	shalt  }
0x3e: {  	_ =	shalt  }
0x3f: {  	_ =	shalt  }
0x40: {  	_ =	shalt  }
0x41: {  	_ =	shalt  }
0x42: {  	_ =	shalt  }
0x43: {  	_ =	shalt  }
0x44: {  	_ =	shalt  }
0x45: {  	_ =	shalt  }
0x46: {  	_ =	shalt  }
0x47: {  	_ =	shalt  }
0x48: {  	_ =	shalt  }
0x49: {  	_ =	shalt  }
0x4a: {  	_ =	shalt  }
0x4b: {  	_ =	shalt  }
0x4c: {  	_ =	shalt  }
0x4d: {  	_ =	shalt  }
0x4e: {  	_ =	shalt  }
0x4f: {  	_ =	shalt  }
0x50: {  	_ =	shalt  }
0x51: {  	_ =	shalt  }
0x52: {  	_ =	shalt  }
0x53: {  	_ =	shalt  }
0x54: {  	_ =	shalt  }
0x55: {  	_ =	shalt  }
0x56: {  	_ =	shalt  }
0x57: {  	_ =	shalt  }
0x58: {  	_ =	shalt  }
0x59: {  	_ =	shalt  }
0x5a: {  	_ =	shalt  }
0x5b: {  	_ =	shalt  }
0x5c: {  	_ =	shalt  }
0x5d: {  	_ =	shalt  }
0x5e: {  	_ =	shalt  }
0x5f: {  	_ =	shalt  }
0x60: {  	_ =	shalt  }
0x61: {  	_ =	shalt  }
0x62: {  	_ =	shalt  }
0x63: {  	_ =	shalt  }
0x64: {  	_ =	shalt  }
0x65: {  	_ =	shalt  }
0x66: {  	_ =	shalt  }
0x67: {  	_ =	shalt  }
0x68: {  	_ =	shalt  }
0x69: {  	_ =	shalt  }
0x6a: {  	_ =	shalt  }
0x6b: {  	_ =	shalt  }
0x6c: {  	_ =	shalt  }
0x6d: {  	_ =	shalt  }
0x6e: {  	_ =	shalt  }
0x6f: {  	_ =	shalt  }
0x70: {  	_ =	shalt  }
0x71: {  	_ =	shalt  }
0x72: {  	_ =	shalt  }
0x73: {  	_ =	shalt  }
0x74: {  	_ =	shalt  }
0x75: {  	_ =	shalt  }
0x76: {  	_ =	shalt  }
0x77: {  	_ =	shalt  }
0x78: {  	_ =	shalt  }
0x79: {  	_ =	shalt  }
0x7a: {  	_ =	shalt  }
0x7b: {  	_ =	shalt  }
0x7c: {  	_ =	shalt  }
0x7d: {  	_ =	shalt  }
0x7e: {  	_ =	shalt  }
0x7f: {  	_ =	shalt  }
0x80: {  	_ =	shalt  }
0x81: {  	_ =	shalt  }
0x82: {  	_ =	shalt  }
0x83: {  	_ =	shalt  }
0x84: {  	_ =	shalt  }
0x85: {  	_ =	shalt  }
0x86: {  	_ =	shalt  }
0x87: {  	_ =	shalt  }
.Lfunc_end0:
.L_simem_size_0:
called_computation.1_lowered:
.L_overlay_start_0:
0x88: {  	s2 =	sld [smem:$0x3FD9]  }
0x89: {  	s3 =	sld [smem:$0x3FFE];
	_ =	sdelay $0x1  }
0x8a: {  	s1 =	srdreg.scid  }
0x8b: {  	s0 =	sand.u32 $0x1, s1  }
0x8c: {  	s17 =	sshll.u32 s0, $0xA;
	s2 =	sadd.s32 s3, s2  }
0x8d: {  	s2 =	sadd.s32 s2, s17  }
0x8e: {  	[smem:$0x3FC6] =	sst s2  }
0x8f: {  	_ = 	snop  }
0x90: {  	s2 =	sld [smem:$0x3FD0];
	(tm) =	ssettm $0x1  }
0x91: {  	s18 =	sld [smem:$0x3FFB];
	_ =	sdelay $0x3  }
0x92: {  	_ =	strace s18  }
0x93: {  	s3 =	sld [smem:$0x3FFC];
	_ =	sdelay $0x3  }
0x94: {  	_ =	strace s3  }
0x95: {  	s3 =	sld [smem:$0x3FFD];
	_ =	sdelay $0x3  }
0x96: {  	_ =	strace s3  }
0x97: {  	_ =	strace $0x8FFFFFFF  }
0x98: {  	s19 =	sld [smem:$0x3FDB];
	_ =	sdelay $0x1  }
0x99: {  	s4 =	simm.s32 $_scs_section_size  }
0x9a: {  	s5 =	simm.s32 $_size__tile_overlayer_lowered;
	s6 =	simm.s32 $_tile_overlayer_lowered  }
0x9b: {  	s22 =	simm.s32 $0x1BFF;
	s21 =	sshll.u32 s6, $0x1;
	s3 =	sadd.s32 s4, s19  }
0x9c: {  	s7 =	simm.s32 $0x0;
	s20 =	sshll.u32 s5, $0x1;
	s5 =	sadd.s32 s21, s3  }
0x9d: {  	[timem:s7], [sflag:s22] =	dma.local [hbm:s5], s20  }
0x9e: {  	_ =	swait.ge [sflag:s22], s20  }
0x9f: {  	s4 =	ssub.s32 $0x0, s20;
	[sflag:s22] =	ssyncset.done $0x0  }
0xa0: {  	[sflag:s22] =	ssyncadd.s32 s4;
	_ =	sdelay $0x1  }
0xa1: {  	s23 =	simm.s32 $0x1B8B  }
0xa2: {  	_ =	swait.ge [sflag:s23], $0x1  }
0xa3: {  	[sflag:s23] =	ssyncset.done $0x0  }
0xa4: {  	s25 =	simm.s32 $0x1B8E;
	s24 =	sld [smem:$0x3FFE];
	[sflag:s23] =	ssyncadd.s32 $0xFFFFFFFF  }
0xa5: {  	s26 =	simm.s32 $execute0_lowered;
	[smem:$0x3FD2] =	sst s25  }
0xa6: {  	s5 =	sshll.u32 s26, $0x1;
	_ =	strace $0x80000046;
	[dreg:$0x1] =	wrdreg $0xFFFFFFFF  }
0xa7: {  	s28 =	simm.s32 $_size_execute0_lowered;
	s3 =	sadd.s32 s3, s5;
	[dreg:$0x0] =	wrdreg $0x0  }
0xa8: {  	s5 =	sshll.u32 s28, $0x1;
	[dreg:$0x2] =	wrdreg s3  }
0xa9: {  	[dreg:$0x3] =	wrdreg s5  }
0xaa: {  	[dreg:$0x4] =	wrdreg $0xC0  }
0xab: {  	_ =	task [dreg:s7], $0x5FFFF  }
0xac: {  	[dreg:$0x1] =	wrdreg $0xFFFFFFFF  }
0xad: {  	[dreg:$0x0] =	wrdreg $0x60  }
0xae: {  	[dreg:$0x2] =	wrdreg s24  }
0xaf: {  	[dreg:$0x3] =	wrdreg s2  }
0xb0: {  	[dreg:$0x4] =	wrdreg $0x9  }
0xb1: {  	_ =	task.clear_ibuf [dreg:s7], $0x5FFFF;
	_ =	strace $0x90000046  }
0xb2: {  	s29 =	simm.s32 $0x9;
	_ =	strace $0x80000048  }
0xb3: {  	_ =	swait.ge [sflag:s29], $0x1  }
0xb4: {  	[sflag:s29] =	ssyncadd.s32 $0xFFFFFFFF  }
0xb5: {  	_ =	strace $0x90000048  }
0xb6: {  	_ =	sfence  }
0xb7: {  	s30 =	sld [smem:$0x0];
	_ =	sdelay $0x2  }
0xb8: {  	s31 =	sshll.u32 s1, $0xD;
	s1 =	sshrl.u32 s1, $0x2  }
0xb9: {  	s3 =	sand.u32 $0x4000, s31;
	s1 =	sadd.s32 s1, s30  }
0xba: {  	s0 =	sor.u32 s3, s0;
	s1 =	sshll.u32 s1, $0x11  }
0xbb: {  	s0 =	sor.u32 s1, s0  }
0xbc: {  	s0 =	sadd.s32 $0x8F2B, s0  }
0xbd: {  	[sflag:s0] =	ssyncadd.remote.s32 $0x1  }
0xbe: {  	_ =	sfence.sel $0xFFFF  }
0xbf: {  	[dreg:$0x0] =	wrdreg $0xFFFFFFFF;
	(pc) =	sbr.abs _section_cstart, $3  }
0xc0: {  	[dreg:$0x1] =	wrdreg $0xFFFFFFFF  }
0xc1: {  	_ =	task.clear_ibuf [dreg:s7], $0x2FFFF;
	_ =	strace $0x9FFFFFFF  }
0xc2: {  	(tm) =	ssettm $0x7FFFFFFF  }
0xc3: {  	_ =	shalt  }
tec
execute0_lowered:
.L_overlay_start_1:
0x0: {  	(tag) =	ssettag $0x1  }
0x1: {  	s0 =	rddreg [dreg:$0x0]  }
0x2: {  	s1 =	rddreg [dreg:$0x1];
	s2 =	srdreg.scid  }
0x3: {  	s8 =	stileid.u32;
	s5 =	simm.s32 $0x0;
	s12 =	simm.s32 $0x80  }
0x4: {  	s13 =	simm.s32 $0x6400;
	s14 =	simm.s32 $0x48;
	s11 =	simm.s32 $0x8400  }
0x5: {  	s15 =	simm.s32 $0x9600;
	s17 =	simm.s32 $0xB600;
	s19 =	simm.s32 $0xE800  }
0x6: {  	s30 =	simm.s32 $0x12C00;
	s16 =	simm.s32 $0x14C00;
	s20 =	simm.s32 $0x15E00  }
0x7: {  	s31 =	simm.s32 $0x40;
	s18 =	simm.s32 $0x2;
	s10 =	simm.s32 $0x0  }
0x8: {  	s28 =	simm.s32 $0xFA00;
	s29 =	simm.s32 $0x17E00;
	s2 =	sand.u32 $0x1, s2  }
0x9: {  	s3 =	sshll.u32 s8, $0x8;
	[smem:$0x7FF] =	sst s5;
	s23 =	smul.u32 $0xC8000, s8  }
0xa: {  	s8 =	simm.s32 $0x8;
	s4 =	sshll.u32 s2, $0x7;
	_ =	strace $0x80000047  }
0xb: {  	s21 =	ssub.s32 $0x2, s2;
	s2 =	smul.u32 $0x64000, s2;
	s4 =	sor.u32 s4, s3  }
0xc: {  	s3 =	sadd.s32 $0xF42E00, s0;
	s7 =	sshrl.u32 s21, $0x1;
	s6 =	smul.u32 $0x6400, s4  }
0xd: {  	s0 =	sadd.s32 $0xA00, s0;
	s4 =	smul.u32 $0x19, s4;
	s5 =	ssub.s32 s21, s7  }
0xe: {  	s21 =	simm.s32 $0xC800;
	s7 =	simm.s32 $0x7;
	s26 =	smax.u32 s5, $0x1  }
0xf: {  	s5 =	simm.s32 $0x5;
	s6 =	sshrl.u32 s6, $0x3;
	s1 =	sadd.s32 s1, s4  }
0x10: {  	[dreg:$0x8] =	wrdreg s26;
	s26 =	simm.s32 $0x1;
	s22 =	sadd.s32 s0, s6  }
0x11: {  	s4 =	simm.s32 $0x4;
	[dreg:$0x3] =	wrdreg s1;
	s6 =	sadd.s32 $0x5DC00, s22  }
0x12: {  	s0 =	sadd.s32 s23, s0;
	s24 =	sadd.s32 $0x5F500, s22;
	[dreg:$0x4] =	wrdreg s6  }
0x13: {  	s23 =	simm.s32 $0xFA00;
	s25 =	sadd.s32 $0x60E00, s22;
	[dreg:$0x5] =	wrdreg s24  }
0x14: {  	s1 =	sadd.s32 $0x62700, s22;
	s0 =	sadd.s32 s2, s0;
	[dreg:$0x6] =	wrdreg s25  }
0x15: {  	s22 =	simm.s32 $0x1C200;
	s2 =	simm.s32 $0x3;
	[dreg:$0x7] =	wrdreg s1  }
0x16: {  	[dreg:$0x9] =	wrdreg s0;
	s0 =	simm.s32 $0x11A00;
	s25 =	simm.s32 $0x17E00  }
0x17: {  	s24 =	simm.s32 $0x19000;
	s1 =	simm.s32 $0x1B000;
	s6 =	simm.s32 $0x6  }
.LBB2_1:
0x18: {  	[dreg:$0xa] =	wrdreg s10  }
0x19: {  	s9 =	simm.s32 $0x0;
	s10 =	rddreg [dreg:$0x3]  }
0x1a: {  	[tilespmem:s9], [sflag:$0x9] =	stream.linear.gather [hbm4b:s10+s9], $0x6400, $0x38;
	[tilespmem:$0x1F400] =	vst v63  }
0x1b: {  	s10 =	simm.s32 $0x9  }
0x1c: {  	_ =	swait.ge [sflag:s10], $0x6400  }
0x1d: {  	[sflag:s10] =	ssyncset.done $0x0  }
0x1e: {  	[sflag:s10] =	ssyncadd.s32 $0xFFFF9C00  }
0x1f: {  	[tilespmem:s13], [sflag:$0x1] =	stream.indirect.gather [hbm4b:s3+s12], $0x40, s9, s12, $0xb8;
	[tilespmem:$0x1F400] =	vst v63  }
0x20: {  	_ = 	snop  }
0x21: {  	[tilespmem:s11], [sflag:$0x1] =	stream.indirect.gather [hbm4b:s3+s14], $0x40, s12, s14, $0xb8;
	[tilespmem:$0x1F400] =	vst v63  }
0x22: {  	s10 =	simm.s32 $0xC8  }
0x23: {  	[tilespmem:s15], [sflag:$0x1] =	stream.indirect.gather [hbm4b:s3+s12], $0x40, s10, s12, $0xb8;
	[tilespmem:$0x1F400] =	vst v63  }
0x24: {  	s10 =	simm.s32 $0x148  }
0x25: {  	[tilespmem:s17], [sflag:$0x1] =	stream.indirect.gather [hbm4b:s3+s14], $0x40, s10, s14, $0xb8;
	[tilespmem:$0x1F400] =	vst v63  }
0x26: {  	s10 =	simm.s32 $0x190  }
0x27: {  	[tilespmem:s21], [sflag:$0x2] =	stream.indirect.gather [hbm4b:s3+s12], $0x40, s10, s12, $0xb8;
	[tilespmem:$0x1F400] =	vst v63  }
0x28: {  	s10 =	simm.s32 $0x210  }
0x29: {  	[tilespmem:s19], [sflag:$0x2] =	stream.indirect.gather [hbm4b:s3+s14], $0x40, s10, s14, $0xb8;
	[tilespmem:$0x1F400] =	vst v63  }
0x2a: {  	s10 =	simm.s32 $0x258  }
0x2b: {  	[tilespmem:s23], [sflag:$0x2] =	stream.indirect.gather [hbm4b:s3+s12], $0x40, s10, s12, $0xb8;
	[tilespmem:$0x1F400] =	vst v63  }
0x2c: {  	s10 =	simm.s32 $0x2D8  }
0x2d: {  	[tilespmem:s0], [sflag:$0x2] =	stream.indirect.gather [hbm4b:s3+s14], $0x40, s10, s14, $0xb8;
	[tilespmem:$0x1F400] =	vst v63  }
0x2e: {  	s10 =	simm.s32 $0x320  }
0x2f: {  	[tilespmem:s30], [sflag:$0x3] =	stream.indirect.gather [hbm4b:s3+s12], $0x40, s10, s12, $0xb8;
	[tilespmem:$0x1F400] =	vst v63  }
0x30: {  	s10 =	simm.s32 $0x3A0  }
0x31: {  	[tilespmem:s16], [sflag:$0x3] =	stream.indirect.gather [hbm4b:s3+s14], $0x40, s10, s14, $0xb8;
	[tilespmem:$0x1F400] =	vst v63  }
0x32: {  	s10 =	simm.s32 $0x3E8  }
0x33: {  	[tilespmem:s20], [sflag:$0x3] =	stream.indirect.gather [hbm4b:s3+s12], $0x40, s10, s12, $0xb8;
	[tilespmem:$0x1F400] =	vst v63  }
0x34: {  	s10 =	simm.s32 $0x468  }
0x35: {  	[tilespmem:s25], [sflag:$0x3] =	stream.indirect.gather [hbm4b:s3+s14], $0x40, s10, s14, $0xb8;
	[tilespmem:$0x1F400] =	vst v63  }
0x36: {  	s10 =	simm.s32 $0x4B0  }
0x37: {  	[tilespmem:s24], [sflag:$0x4] =	stream.indirect.gather [hbm4b:s3+s12], $0x40, s10, s12, $0xb8;
	[tilespmem:$0x1F400] =	vst v63  }
0x38: {  	s10 =	simm.s32 $0x530  }
0x39: {  	[tilespmem:s1], [sflag:$0x4] =	stream.indirect.gather [hbm4b:s3+s14], $0x40, s10, s14, $0xb8;
	[tilespmem:$0x1F400] =	vst v63  }
0x3a: {  	s10 =	simm.s32 $0x578  }
0x3b: {  	[tilespmem:s22], [sflag:$0x4] =	stream.indirect.gather [hbm4b:s3+s12], $0x40, s10, s12, $0xb8;
	[tilespmem:$0x1F400] =	vst v63  }
0x3c: {  	s9 =	simm.s32 $0x1E200;
	s10 =	simm.s32 $0x5F8  }
0x3d: {  	[tilespmem:s9], [sflag:$0x4] =	stream.indirect.gather [hbm4b:s3+s14], $0x40, s10, s14, $0xb8;
	[tilespmem:$0x1F400] =	vst v63  }
0x3e: {  	_ =	swait.ge [sflag:s26], $0x6400  }
0x3f: {  	[sflag:s26] =	ssyncset.done $0x0  }
0x40: {  	s10 =	rddreg [dreg:$0x9];
	[sflag:s26] =	ssyncadd.s32 $0xFFFF9C00  }
0x41: {  	[hbm4b:s10+s31] =	stream.strided.scatter [tilespmem:s13], [sflag:$0x5], $0x6400, s12, s31, $0x38;
	[tilespmem:$0x1F400] =	vst v63  }
0x42: {  	_ =	swait.ge [sflag:s18], $0x6400  }
0x43: {  	[sflag:s18] =	ssyncset.done $0x0  }
0x44: {  	s9 =	sadd.s32 $0x1900, s10;
	[sflag:s18] =	ssyncadd.s32 $0xFFFF9C00  }
0x45: {  	[hbm4b:s9+s31] =	stream.strided.scatter [tilespmem:s21], [sflag:$0x6], $0x6400, s12, s31, $0x38;
	[tilespmem:$0x1F400] =	vst v63  }
0x46: {  	_ =	swait.ge [sflag:s2], $0x6400  }
0x47: {  	[sflag:s2] =	ssyncset.done $0x0  }
0x48: {  	s9 =	sadd.s32 $0x3200, s10;
	[sflag:s2] =	ssyncadd.s32 $0xFFFF9C00  }
0x49: {  	[hbm4b:s9+s31] =	stream.strided.scatter [tilespmem:s30], [sflag:$0x7], $0x6400, s12, s31, $0x38;
	[tilespmem:$0x1F400] =	vst v63  }
0x4a: {  	_ =	swait.ge [sflag:s4], $0x6400  }
0x4b: {  	[sflag:s4] =	ssyncset.done $0x0  }
0x4c: {  	s9 =	sadd.s32 $0x4B00, s10;
	[sflag:s4] =	ssyncadd.s32 $0xFFFF9C00  }
0x4d: {  	[hbm4b:s9+s31] =	stream.strided.scatter [tilespmem:s24], [sflag:$0x8], $0x6400, s12, s31, $0x38;
	[tilespmem:$0x1F400] =	vst v63  }
0x4e: {  	_ =	swait.ge [sflag:s5], $0x6400  }
0x4f: {  	[sflag:s5] =	ssyncset.done $0x0  }
0x50: {  	s9 =	simm.s32 $0x640;
	[sflag:s5] =	ssyncadd.s32 $0xFFFF9C00  }
0x51: {  	[tilespmem:s13], [sflag:$0x1] =	stream.indirect.gather [hbm4b:s3+s12], $0x40, s9, s12, $0xb8;
	[tilespmem:$0x1F400] =	vst v63  }
0x52: {  	s9 =	simm.s32 $0x6C0  }
0x53: {  	[tilespmem:s11], [sflag:$0x1] =	stream.indirect.gather [hbm4b:s3+s14], $0x40, s9, s14, $0xb8;
	[tilespmem:$0x1F400] =	vst v63  }
0x54: {  	s11 =	simm.s32 $0x708  }
0x55: {  	[tilespmem:s15], [sflag:$0x1] =	stream.indirect.gather [hbm4b:s3+s12], $0x40, s11, s12, $0xb8;
	[tilespmem:$0x1F400] =	vst v63  }
0x56: {  	s11 =	simm.s32 $0x788  }
0x57: {  	[tilespmem:s17], [sflag:$0x1] =	stream.indirect.gather [hbm4b:s3+s14], $0x40, s11, s14, $0xb8;
	[tilespmem:$0x1F400] =	vst v63  }
0x58: {  	_ =	swait.ge [sflag:s6], $0x6400  }
0x59: {  	[sflag:s6] =	ssyncset.done $0x0  }
0x5a: {  	s15 =	simm.s32 $0x7D0;
	[sflag:s6] =	ssyncadd.s32 $0xFFFF9C00  }
0x5b: {  	[tilespmem:s21], [sflag:$0x2] =	stream.indirect.gather [hbm4b:s3+s12], $0x40, s15, s12, $0xb8;
	[tilespmem:$0x1F400] =	vst v63  }
0x5c: {  	s17 =	simm.s32 $0x850  }
0x5d: {  	[tilespmem:s19], [sflag:$0x2] =	stream.indirect.gather [hbm4b:s3+s14], $0x40, s17, s14, $0xb8;
	[tilespmem:$0x1F400] =	vst v63  }
0x5e: {  	s19 =	simm.s32 $0x898  }
0x5f: {  	[tilespmem:s23], [sflag:$0x2] =	stream.indirect.gather [hbm4b:s3+s12], $0x40, s19, s12, $0xb8;
	[tilespmem:$0x1F400] =	vst v63  }
0x60: {  	s23 =	simm.s32 $0x918  }
0x61: {  	[tilespmem:s0], [sflag:$0x2] =	stream.indirect.gather [hbm4b:s3+s14], $0x40, s23, s14, $0xb8;
	[tilespmem:$0x1F400] =	vst v63  }
0x62: {  	_ =	swait.ge [sflag:s7], $0x6400  }
0x63: {  	[sflag:s7] =	ssyncset.done $0x0  }
0x64: {  	s11 =	simm.s32 $0x960;
	[sflag:s7] =	ssyncadd.s32 $0xFFFF9C00  }
0x65: {  	[tilespmem:s30], [sflag:$0x3] =	stream.indirect.gather [hbm4b:s3+s12], $0x40, s11, s12, $0xb8;
	[tilespmem:$0x1F400] =	vst v63  }
0x66: {  	s15 =	simm.s32 $0x9E0  }
0x67: {  	[tilespmem:s16], [sflag:$0x3] =	stream.indirect.gather [hbm4b:s3+s14], $0x40, s15, s14, $0xb8;
	[tilespmem:$0x1F400] =	vst v63  }
0x68: {  	s17 =	simm.s32 $0xA28  }
0x69: {  	[tilespmem:s20], [sflag:$0x3] =	stream.indirect.gather [hbm4b:s3+s12], $0x40, s17, s12, $0xb8;
	[tilespmem:$0x1F400] =	vst v63  }
0x6a: {  	s19 =	simm.s32 $0xAA8  }
0x6b: {  	[tilespmem:s25], [sflag:$0x3] =	stream.indirect.gather [hbm4b:s3+s14], $0x40, s19, s14, $0xb8;
	[tilespmem:$0x1F400] =	vst v63  }
0x6c: {  	s10 =	sadd.s32 $0x6400, s10;
	s9 =	simm.s32 $0xC38;
	_ =	swait.ge [sflag:s8], $0x6400  }
0x6d: {  	s23 =	simm.s32 $0xB70;
	s0 =	simm.s32 $0x11A00;
	[sflag:s8] =	ssyncset.done $0x0  }
0x6e: {  	s11 =	simm.s32 $0x1900;
	s20 =	simm.s32 $0xAF0;
	[sflag:s8] =	ssyncadd.s32 $0xFFFF9C00  }
0x6f: {  	[tilespmem:s24], [sflag:$0x4] =	stream.indirect.gather [hbm4b:s3+s12], $0x40, s20, s12, $0xb8;
	[tilespmem:$0x1F400] =	vst v63  }
0x70: {  	s16 =	simm.s32 $0x14C00;
	s17 =	simm.s32 $0x8400;
	s25 =	simm.s32 $0xBB8  }
0x71: {  	[tilespmem:s1], [sflag:$0x4] =	stream.indirect.gather [hbm4b:s3+s14], $0x40, s23, s14, $0xb8;
	[tilespmem:$0x1F400] =	vst v63  }
0x72: {  	s19 =	simm.s32 $0x9600;
	s20 =	simm.s32 $0x15E00;
	s1 =	simm.s32 $0x1B000  }
0x73: {  	[tilespmem:s22], [sflag:$0x4] =	stream.indirect.gather [hbm4b:s3+s12], $0x40, s25, s12, $0xb8;
	[tilespmem:$0x1F400] =	vst v63  }
0x74: {  	s23 =	simm.s32 $0xB600;
	s22 =	simm.s32 $0x1C200;
	s25 =	simm.s32 $0xE800  }
.LBB2_2:
0x75: {  	s15 =	simm.s32 $0x1E200  }
0x76: {  	[tilespmem:s15], [sflag:$0x4] =	stream.indirect.gather [hbm4b:s3+s14], $0x40, s9, s14, $0xb8;
	[tilespmem:$0x1F400] =	vst v63  }
0x77: {  	s9 =	smov.u32 s11  }
0x78: {  	p0 =	sne.s32 s11, $0x15E00;
	s11 =	sadd.s32 $0x1900, s11;
	_ =	swait.ge [sflag:s26], $0x6400  }
0x79: {  	[sflag:s26] =	ssyncset.done $0x0  }
0x7a: {  	[sflag:s26] =	ssyncadd.s32 $0xFFFF9C00  }
0x7b: {  	[hbm4b:s10+s31] =	stream.strided.scatter [tilespmem:s13], [sflag:$0x5], $0x6400, s12, s31, $0x38;
	[tilespmem:$0x1F400] =	vst v63  }
0x7c: {  	_ =	swait.ge [sflag:s18], $0x6400  }
0x7d: {  	[sflag:s18] =	ssyncset.done $0x0  }
0x7e: {  	s15 =	sadd.s32 $0x1900, s10;
	[sflag:s18] =	ssyncadd.s32 $0xFFFF9C00  }
0x7f: {  	[hbm4b:s15+s31] =	stream.strided.scatter [tilespmem:s21], [sflag:$0x6], $0x6400, s12, s31, $0x38;
	[tilespmem:$0x1F400] =	vst v63  }
0x80: {  	_ =	swait.ge [sflag:s2], $0x6400  }
0x81: {  	[sflag:s2] =	ssyncset.done $0x0  }
0x82: {  	s15 =	sadd.s32 $0x3200, s10;
	[sflag:s2] =	ssyncadd.s32 $0xFFFF9C00  }
0x83: {  	[hbm4b:s15+s31] =	stream.strided.scatter [tilespmem:s30], [sflag:$0x7], $0x6400, s12, s31, $0x38;
	[tilespmem:$0x1F400] =	vst v63  }
0x84: {  	_ =	swait.ge [sflag:s4], $0x6400  }
0x85: {  	[sflag:s4] =	ssyncset.done $0x0  }
0x86: {  	s15 =	sadd.s32 $0x4B00, s10;
	[sflag:s4] =	ssyncadd.s32 $0xFFFF9C00  }
0x87: {  	[hbm4b:s15+s31] =	stream.strided.scatter [tilespmem:s24], [sflag:$0x8], $0x6400, s12, s31, $0x38;
	[tilespmem:$0x1F400] =	vst v63  }
0x88: {  	_ =	swait.ge [sflag:s5], $0x6400  }
0x89: {  	s9 =	sshra.s32 s9, $0x2;
	[sflag:s5] =	ssyncset.done $0x0  }
0x8a: {  	s15 =	sadd.s32 $0x640, s9;
	[sflag:s5] =	ssyncadd.s32 $0xFFFF9C00  }
0x8b: {  	[tilespmem:s13], [sflag:$0x1] =	stream.indirect.gather [hbm4b:s3+s12], $0x40, s15, s12, $0xb8;
	[tilespmem:$0x1F400] =	vst v63  }
0x8c: {  	s15 =	sadd.s32 $0x6C0, s9  }
0x8d: {  	[tilespmem:s17], [sflag:$0x1] =	stream.indirect.gather [hbm4b:s3+s14], $0x40, s15, s14, $0xb8;
	[tilespmem:$0x1F400] =	vst v63  }
0x8e: {  	s15 =	sadd.s32 $0x708, s9  }
0x8f: {  	[tilespmem:s19], [sflag:$0x1] =	stream.indirect.gather [hbm4b:s3+s12], $0x40, s15, s12, $0xb8;
	[tilespmem:$0x1F400] =	vst v63  }
0x90: {  	s15 =	sadd.s32 $0x788, s9  }
0x91: {  	[tilespmem:s23], [sflag:$0x1] =	stream.indirect.gather [hbm4b:s3+s14], $0x40, s15, s14, $0xb8;
	[tilespmem:$0x1F400] =	vst v63  }
0x92: {  	_ =	swait.ge [sflag:s6], $0x6400  }
0x93: {  	[sflag:s6] =	ssyncset.done $0x0  }
0x94: {  	s15 =	sadd.s32 $0x7D0, s9;
	[sflag:s6] =	ssyncadd.s32 $0xFFFF9C00  }
0x95: {  	[tilespmem:s21], [sflag:$0x2] =	stream.indirect.gather [hbm4b:s3+s12], $0x40, s15, s12, $0xb8;
	[tilespmem:$0x1F400] =	vst v63  }
0x96: {  	s15 =	sadd.s32 $0x850, s9  }
0x97: {  	[tilespmem:s25], [sflag:$0x2] =	stream.indirect.gather [hbm4b:s3+s14], $0x40, s15, s14, $0xb8;
	[tilespmem:$0x1F400] =	vst v63  }
0x98: {  	s15 =	sadd.s32 $0x898, s9  }
0x99: {  	[tilespmem:s28], [sflag:$0x2] =	stream.indirect.gather [hbm4b:s3+s12], $0x40, s15, s12, $0xb8;
	[tilespmem:$0x1F400] =	vst v63  }
0x9a: {  	s15 =	sadd.s32 $0x918, s9  }
0x9b: {  	[tilespmem:s0], [sflag:$0x2] =	stream.indirect.gather [hbm4b:s3+s14], $0x40, s15, s14, $0xb8;
	[tilespmem:$0x1F400] =	vst v63  }
0x9c: {  	_ =	swait.ge [sflag:s7], $0x6400  }
0x9d: {  	[sflag:s7] =	ssyncset.done $0x0  }
0x9e: {  	s15 =	sadd.s32 $0x960, s9;
	[sflag:s7] =	ssyncadd.s32 $0xFFFF9C00  }
0x9f: {  	[tilespmem:s30], [sflag:$0x3] =	stream.indirect.gather [hbm4b:s3+s12], $0x40, s15, s12, $0xb8;
	[tilespmem:$0x1F400] =	vst v63  }
0xa0: {  	s15 =	sadd.s32 $0x9E0, s9  }
0xa1: {  	[tilespmem:s16], [sflag:$0x3] =	stream.indirect.gather [hbm4b:s3+s14], $0x40, s15, s14, $0xb8;
	[tilespmem:$0x1F400] =	vst v63  }
0xa2: {  	s15 =	sadd.s32 $0xA28, s9  }
0xa3: {  	[tilespmem:s20], [sflag:$0x3] =	stream.indirect.gather [hbm4b:s3+s12], $0x40, s15, s12, $0xb8;
	[tilespmem:$0x1F400] =	vst v63  }
0xa4: {  	s15 =	sadd.s32 $0xAA8, s9  }
0xa5: {  	[tilespmem:s29], [sflag:$0x3] =	stream.indirect.gather [hbm4b:s3+s14], $0x40, s15, s14, $0xb8;
	[tilespmem:$0x1F400] =	vst v63  }
0xa6: {  	_ =	swait.ge [sflag:s8], $0x6400  }
0xa7: {  	[sflag:s8] =	ssyncset.done $0x0  }
0xa8: {  	s15 =	sadd.s32 $0xAF0, s9;
	[sflag:s8] =	ssyncadd.s32 $0xFFFF9C00  }
0xa9: {  	[tilespmem:s24], [sflag:$0x4] =	stream.indirect.gather [hbm4b:s3+s12], $0x40, s15, s12, $0xb8;
	[tilespmem:$0x1F400] =	vst v63  }
.Ltmp0:
0xaa: {  	s15 =	sadd.s32 $0xB70, s9;
	(pc) =	sbr.rel @p0 .LBB2_2-.Ltmp0, $4  }
0xab: {  	[tilespmem:s1], [sflag:$0x4] =	stream.indirect.gather [hbm4b:s3+s14], $0x40, s15, s14, $0xb8;
	[tilespmem:$0x1F400] =	vst v63  }
0xac: {  	s15 =	sadd.s32 $0xBB8, s9  }
0xad: {  	[tilespmem:s22], [sflag:$0x4] =	stream.indirect.gather [hbm4b:s3+s12], $0x40, s15, s12, $0xb8;
	[tilespmem:$0x1F400] =	vst v63  }
0xae: {  	s10 =	sadd.s32 $0x6400, s10;
	s9 =	sadd.s32 $0xC38, s9  }
0xaf: {  	s0 =	simm.s32 $0x1E200  }
0xb0: {  	[tilespmem:s0], [sflag:$0x4] =	stream.indirect.gather [hbm4b:s3+s14], $0x40, s9, s14, $0xb8;
	[tilespmem:$0x1F400] =	vst v63  }
0xb1: {  	_ =	swait.ge [sflag:s26], $0x6400  }
0xb2: {  	[sflag:s26] =	ssyncset.done $0x0  }
0xb3: {  	s19 =	rddreg [dreg:$0x4];
	[sflag:s26] =	ssyncadd.s32 $0xFFFF9C00  }
0xb4: {  	[hbm4b:s19+s31] =	stream.strided.scatter [tilespmem:s13], [sflag:$0x5], $0x6400, s12, s31, $0x38;
	[tilespmem:$0x1F400] =	vst v63  }
0xb5: {  	_ =	swait.ge [sflag:s18], $0x6400  }
0xb6: {  	[sflag:s18] =	ssyncset.done $0x0  }
0xb7: {  	s20 =	rddreg [dreg:$0x5];
	[sflag:s18] =	ssyncadd.s32 $0xFFFF9C00  }
0xb8: {  	[hbm4b:s20+s31] =	stream.strided.scatter [tilespmem:s21], [sflag:$0x6], $0x6400, s12, s31, $0x38;
	[tilespmem:$0x1F400] =	vst v63  }
0xb9: {  	_ =	swait.ge [sflag:s2], $0x6400  }
0xba: {  	[sflag:s2] =	ssyncset.done $0x0  }
0xbb: {  	s22 =	rddreg [dreg:$0x6];
	[sflag:s2] =	ssyncadd.s32 $0xFFFF9C00  }
0xbc: {  	[hbm4b:s22+s31] =	stream.strided.scatter [tilespmem:s30], [sflag:$0x7], $0x6400, s12, s31, $0x38;
	[tilespmem:$0x1F400] =	vst v63  }
0xbd: {  	_ =	swait.ge [sflag:s4], $0x6400  }
0xbe: {  	[sflag:s4] =	ssyncset.done $0x0  }
0xbf: {  	s23 =	rddreg [dreg:$0x7];
	[sflag:s4] =	ssyncadd.s32 $0xFFFF9C00  }
0xc0: {  	[hbm4b:s23+s31] =	stream.strided.scatter [tilespmem:s24], [sflag:$0x8], $0x6400, s12, s31, $0x38;
	[tilespmem:$0x1F400] =	vst v63  }
0xc1: {  	_ =	swait.ge [sflag:s5], $0x6400  }
0xc2: {  	[sflag:s5] =	ssyncset.done $0x0  }
0xc3: {  	[sflag:s5] =	ssyncadd.s32 $0xFFFF9C00  }
0xc4: {  	_ =	swait.ge [sflag:s6], $0x6400  }
0xc5: {  	[sflag:s6] =	ssyncset.done $0x0  }
0xc6: {  	[sflag:s6] =	ssyncadd.s32 $0xFFFF9C00  }
0xc7: {  	_ =	swait.ge [sflag:s7], $0x6400  }
0xc8: {  	[sflag:s7] =	ssyncset.done $0x0  }
0xc9: {  	[sflag:s7] =	ssyncadd.s32 $0xFFFF9C00  }
0xca: {  	_ =	swait.ge [sflag:s8], $0x6400  }
0xcb: {  	s10 =	rddreg [dreg:$0xa]  }
0xcc: {  	s25 =	rddreg [dreg:$0x8];
	s10 =	sadd.s32 $0x1, s10  }
0xcd: {  	p0 =	sne.s32 s10, s25  }
.Ltmp1:
0xce: {  	s11 =	simm.s32 $0x8400;
	(pc) =	sbr.rel @p0 .LBB2_1-.Ltmp1, $4  }
0xcf: {  	s15 =	simm.s32 $0x9600;
	s17 =	simm.s32 $0xB600;
	s16 =	simm.s32 $0x14C00  }
0xd0: {  	s1 =	simm.s32 $0x1B000;
	s0 =	simm.s32 $0x11A00;
	s19 =	simm.s32 $0xE800  }
0xd1: {  	s20 =	simm.s32 $0x15E00;
	s22 =	simm.s32 $0x1C200;
	[sflag:s8] =	ssyncset.done $0x0  }
0xd2: {  	s23 =	simm.s32 $0xFA00;
	[sflag:s8] =	ssyncadd.s32 $0xFFFF9C00;
	s25 =	simm.s32 $0x17E00  }
0xd3: {  	_ =	sfence.sel $0x180000  }
0xd4: {  	[bflag:$0x0] =	sbarrier.arrive $0xFFFF  }
0xd5: {  	_ =	strace $0x90000047  }
0xd6: {  	s0 =	stileid.u32;
	[bflag:$0x2] =	sbarrier.arrive $0xFFFF  }
0xd7: {  	p0 =	sne.s32 s0, $0x0;
	s0 =	rddreg [dreg:$0x2]  }
0xd8: {  	s0 =	sadd.s32 @!p0 $0x100000, s0  }
0xd9: {  	[sflag:s0] =	ssyncadd.tile.s32 @!p0 $0x1;
	_ =	shalt  }
.Lfunc_end2:
_tile_overlayer_lowered:
.L_overlay_start_2:
0xda: {  	(tag) =	ssettag $0x2  }
0xdb: {  	s0 =	rddreg [dreg:$0x0];
	s2 =	stileid.u32  }
0xdc: {  	s1 =	rddreg [dreg:$0x1];
	p0 =	sne.s32 s2, $0x0  }
0xdd: {  	s3 =	rddreg [dreg:$0x2];
	[bflag:$0x3] =	sbarrier.arrive $0xFFFF;
	s2 =	simm.s32 @!p0 $0x1C09  }
0xde: {  	[timem:s3], [sflag:s2] =	dma.local @!p0 [hbm:s0], s1  }
0xdf: {  	s0 =	simm.s32 @!p0 $0x9  }
0xe0: {  	_ =	swait.ge @!p0 [sflag:s0], s1  }
0xe1: {  	s1 =	ssub.s32 @!p0 $0x0, s1;
	[sflag:s0] =	ssyncset.done @!p0 $0x0  }
0xe2: {  	[sflag:s0] =	ssyncadd.s32 @!p0 s1  }
0xe3: {  	[bflag:$0x3] =	sbarrier.arrive $0xFFFF  }
0xe4: {  	_ =	shalt  }

// kernel: sparse-core-data-format-call.cloned.1.call-start
scs
called_computation_lowered:
.L_overlay_start_0:
0x0: {  	s2 =	sld [smem:$0x3FD9]  }
0x1: {  	s3 =	sld [smem:$0x3FFE];
	_ =	sdelay $0x1  }
0x2: {  	s1 =	srdreg.scid  }
0x3: {  	s0 =	sand.u32 $0x1, s1  }
0x4: {  	s18 =	sshll.u32 s0, $0xA;
	s2 =	sadd.s32 s3, s2  }
0x5: {  	s2 =	sadd.s32 s2, s18  }
0x6: {  	[smem:$0x3FC6] =	sst s2  }
0x7: {  	_ = 	snop  }
0x8: {  	s2 =	sld [smem:$0x3FD0];
	(tm) =	ssettm $0x1  }
0x9: {  	s19 =	sld [smem:$0x3FFB];
	_ =	sdelay $0x3  }
0xa: {  	_ =	strace s19  }
0xb: {  	s3 =	sld [smem:$0x3FFC];
	_ =	sdelay $0x3  }
0xc: {  	_ =	strace s3  }
0xd: {  	s3 =	sld [smem:$0x3FFD];
	_ =	sdelay $0x3  }
0xe: {  	_ =	strace s3  }
0xf: {  	_ =	strace $0x8FFFFFFF  }
0x10: {  	s20 =	sld [smem:$0x3FDB];
	_ =	sdelay $0x1  }
0x11: {  	s4 =	simm.s32 $_scs_section_size  }
0x12: {  	s5 =	simm.s32 $_size__tile_overlayer_lowered;
	s6 =	simm.s32 $_tile_overlayer_lowered  }
0x13: {  	s23 =	simm.s32 $0x1BFF;
	s22 =	sshll.u32 s6, $0x1;
	s3 =	sadd.s32 s4, s20  }
0x14: {  	s7 =	simm.s32 $0x0;
	s21 =	sshll.u32 s5, $0x1;
	s5 =	sadd.s32 s22, s3  }
0x15: {  	[timem:s7], [sflag:s23] =	dma.local [hbm:s5], s21  }
0x16: {  	_ =	swait.ge [sflag:s23], s21  }
0x17: {  	s4 =	ssub.s32 $0x0, s21;
	[sflag:s23] =	ssyncset.done $0x0  }
0x18: {  	[sflag:s23] =	ssyncadd.s32 s4;
	_ =	sdelay $0x1  }
0x19: {  	s24 =	simm.s32 $0x1B8B  }
0x1a: {  	_ =	swait.ge [sflag:s24], $0x1  }
0x1b: {  	[sflag:s24] =	ssyncset.done $0x0  }
0x1c: {  	s26 =	simm.s32 $0x1B8E;
	s25 =	sld [smem:$0x3FFE];
	[sflag:s24] =	ssyncadd.s32 $0xFFFFFFFF  }
0x1d: {  	s27 =	simm.s32 $execute0_lowered;
	[smem:$0x3FD2] =	sst s26  }
0x1e: {  	s5 =	sshll.u32 s27, $0x1;
	_ =	strace $0x80000049;
	[dreg:$0x1] =	wrdreg $0xFFFFFFFF  }
0x1f: {  	s28 =	simm.s32 $_size_execute0_lowered;
	s3 =	sadd.s32 s3, s5;
	[dreg:$0x0] =	wrdreg $0x0  }
0x20: {  	s5 =	sshll.u32 s28, $0x1;
	[dreg:$0x2] =	wrdreg s3  }
0x21: {  	[dreg:$0x3] =	wrdreg s5  }
0x22: {  	[dreg:$0x4] =	wrdreg $0xC0  }
0x23: {  	_ =	task [dreg:s7], $0x5FFFF  }
0x24: {  	[dreg:$0x1] =	wrdreg $0xFFFFFFFF  }
0x25: {  	[dreg:$0x0] =	wrdreg $0x60  }
0x26: {  	[dreg:$0x2] =	wrdreg s25  }
0x27: {  	[dreg:$0x3] =	wrdreg s2  }
0x28: {  	[dreg:$0x4] =	wrdreg $0x9  }
0x29: {  	_ =	task.clear_ibuf [dreg:s7], $0x5FFFF;
	_ =	strace $0x90000049  }
0x2a: {  	s29 =	simm.s32 $0x9;
	_ =	strace $0x8000004B  }
0x2b: {  	_ =	swait.ge [sflag:s29], $0x1  }
0x2c: {  	[sflag:s29] =	ssyncadd.s32 $0xFFFFFFFF  }
0x2d: {  	_ =	strace $0x9000004B  }
0x2e: {  	_ =	sfence  }
0x2f: {  	s30 =	sld [smem:$0x0];
	_ =	sdelay $0x2  }
0x30: {  	s31 =	sshll.u32 s1, $0xD;
	s1 =	sshrl.u32 s1, $0x2  }
0x31: {  	s3 =	sand.u32 $0x4000, s31;
	s1 =	sadd.s32 s1, s30  }
0x32: {  	s0 =	sor.u32 s3, s0;
	s1 =	sshll.u32 s1, $0x11  }
0x33: {  	s0 =	sor.u32 s1, s0  }
0x34: {  	s0 =	sadd.s32 $0x8F2B, s0  }
0x35: {  	[sflag:s0] =	ssyncadd.remote.s32 $0x1  }
0x36: {  	_ =	sfence.sel $0xFFFF  }
0x37: {  	[dreg:$0x0] =	wrdreg $0xFFFFFFFF;
	(pc) =	sbr.abs _section_cstart, $3  }
0x38: {  	[dreg:$0x1] =	wrdreg $0xFFFFFFFF  }
0x39: {  	_ =	task.clear_ibuf [dreg:s7], $0x2FFFF;
	_ =	strace $0x9FFFFFFF  }
0x3a: {  	(tm) =	ssettm $0x7FFFFFFF  }
0x3b: {  	_ =	shalt  }
tec
execute0_lowered:
.L_overlay_start_1:
0x0: {  	(tag) =	ssettag $0x1  }
0x1: {  	s0 =	srdreg.scid  }
0x2: {  	s1 =	sshll.u32 s0, $0x4  }
0x3: {  	s0 =	stileid.u32;
	s1 =	sand.u32 $0x10, s1  }
0x4: {  	s1 =	sor.u32 s0, s1  }
0x5: {  	s6 =	rddreg [dreg:$0x0];
	s4 =	simm.s32 $0x1;
	s2 =	sshll.u32 s1, $0x7  }
0x6: {  	s7 =	simm.s32 $0x2;
	s12 =	simm.s32 $0x0;
	s1 =	ssub.s32 $0x1000, s2  }
0x7: {  	s8 =	simm.s32 $0x8000;
	s13 =	simm.s32 $0x0;
	s3 =	sand.u32 $0xF80, s1  }
0x8: {  	s9 =	simm.s32 $0x0;
	s5 =	sshrl.u32 s1, $0xC;
	p0 =	sne.s32 s3, $0x0  }
.Ltmp0:
0x9: {  	s1 =	rddreg [dreg:$0x2];
	s4 =	simm.s32 @!p0 $0x0;
	(pc) =	sbr.rel .LBB1_1-.Ltmp0, $4  }
0xa: {  	s11 =	simm.s32 $0x0;
	s3 =	rddreg [dreg:$0x1];
	s5 =	sadd.s32 s4, s5  }
0xb: {  	_ =	strace $0x8000004A;
	s4 =	simm.s32 $0x1;
	s5 =	smul.u32 $0xC8, s5  }
0xc: {  	s6 =	sadd.s32 $0xA00, s6;
	s10 =	smov.u32 s2;
	[sflag:s4] =	ssyncpa.u1 $0x0  }
0xd: {  	p0 =	por $0x0, $0x0;
	[sflag:s7] =	ssyncpa.u1 $0x0;
	s7 =	sor.u32 $0x1, s5  }
.LBB1_4:
0xe: {  	s16 =	sshll.u32 s13, $0x3;
	s17 =	sand.u32 $0x78, s13  }
0xf: {  	s30 =	sand.u32 $0x7E00, s13;
	s12 =	sshll.u32 s12, $0xF;
	s16 =	sand.u32 $0xC00, s16  }
0x10: {  	[tilespmem:s15+$0x810 ss:$0x81] =	vst.msk $0xffff, v2;
	s31 =	sand.u32 $0x7, s13;
	s16 =	sor.u32 s17, s16;
	s17 =	sadd.s32 s3, s30  }
0x11: {  	[tilespmem:s15+$0x1020 ss:$0x81] =	vst.msk $0xffff, v0;
	s13 =	sshll.u32 s31, $0x12;
	s12 =	sadd.s32 s12, s17;
	s16 =	sshrl.u32 s16, $0x3  }
0x12: {  	[tilespmem:s15+$0x0 ss:$0x81] =	vst.msk $0xffff, v1;
	s13 =	sor.u32 $0x400, s13;
	s12 =	sadd.s32 s16, s12  }
0x13: {  	[hbm4b:s12+s13] =	stream.strided.scatter [tilespmem:s14], [sflag:$0x2], $0x2000, s8, s13, $0x20;
	[tilespmem:$0x8080] =	vst v63  }
.LBB1_5:
0x14: {  	s14 =	sadd.s32 $0x1, s9  }
0x15: {  	s12 =	sadd.s32 $0x1000, s10;
	s16 =	smov.u32 s10;
	p2 =	sgt.s32 s14, $0xC7  }
0x16: {  	s16 =	smov.u32 @p2 s12  }
0x17: {  	s14 =	simm.s32 @p2 $0x0;
	p2 =	sgt.s32 s16, $0xFFF  }
0x18: {  	s16 =	smov.u32 @p2 s2;
	p2 =	sne.s32 s11, s7  }
.Ltmp1:
0x19: {  	p1 =	slt.u32 s11, $0x2;
	(pc) =	sbr.rel @!p2 .LBB1_6-.Ltmp1, $4  }
0x1a: {  	s15 =	simm.s32 @!p1 $0x2  }
0x1b: {  	s13 =	smov.u32 s10;
	p0 =	por !p0, !p0;
	_ =	swait.ge @!p1 [sflag:s15], $0x2000  }
0x1c: {  	s12 =	smov.u32 s9;
	[sflag:s15] =	ssyncset.done @!p1 $0x0;
	s9 =	smov.u32 s14  }
0x1d: {  	s11 =	sadd.s32 $0x1, s11;
	[sflag:s15] =	ssyncadd.s32 @!p1 $0xFFFFE000;
	s10 =	smov.u32 s16  }
.LBB1_1:
0x1e: {  	p1 =	sge.u32 s11, s5  }
0x1f: {  	s14 =	sand.u32 @!p1 $0x1FFFFFF, s9  }
0x20: {  	s15 =	smulhi.u32 @!p1 $0x147AE15, s14;
	_ =	sdelay $0x1  }
0x21: {  	s15 =	smul.u32 @!p1 $0xC8, s15  }
0x22: {  	s16 =	sxor.u32 @!p1 $0xFFFFFFFF, s11;
	s17 =	smul.u32 @!p1 $0xC80, s10  }
0x23: {  	s31 =	sadd.s32 $0xFFFFFFFF, s11;
	s16 =	sshll.u32 @!p1 s16, $0xD;
	s14 =	ssub.s32 @!p1 s14, s15  }
0x24: {  	s15 =	sand.u32 @!p1 $0x2000, s16;
	s16 =	sadd.s32 @!p1 s6, s17;
	s14 =	sshll.u32 @!p1 s14, $0x4  }
0x25: {  	s17 =	simm.s32 @!p1 $0x6400;
	s14 =	sadd.s32 @!p1 s14, s16;
	s16 =	simm.s32 @!p1 $0x40  }
0x26: {  	[tilespmem:s15], [sflag:$0x1] =	stream.strided.gather @!p1 [hbm4b:s14+s16], $0x2000, s17, s16, $0x38;
	[tilespmem:$0x8080] =	vst v63  }
0x27: {  	p1 =	sge.u32 s31, s5  }
.Ltmp2:
0x28: {  	_ = 	snop;
	(pc) =	sbr.rel @p1 .LBB1_5-.Ltmp2, $1  }
0x29: {  	_ =	sdelay $0x3  }
0x2a: {  	s14 =	simm.s32 $0x1  }
0x2b: {  	_ =	swait.ge [sflag:s4], $0x2000;
	s14 =	simm.s32 @!p0 $0x0  }
0x2c: {  	[sflag:s4] =	ssyncset.done $0x0;
	s15 =	sshll.u32 s14, $0xD  }
0x2d: {  	[sflag:s4] =	ssyncadd.s32 $0xFFFFE000;
	s18 =	sor.u32 $0x20, s15  }
0x2e: {  	s14 =	smul.u32 $0x8100, s14;
	v3 =	vld [tilespmem:s18+$0x10]  }
0x2f: {  	s30 =	sand.u32 $0x1, s11;
	v2 =	vld [tilespmem:s18+$0xFFFFFFF0]  }
0x30: {  	s15 =	smul.u32 $0x8100, s30;
	s14 =	sshrl.u32 s14, $0x2;
	v0 =	vld [tilespmem:s18+$0x0]  }
0x31: {  	v1 =	vld [tilespmem:s18+$0xFFFFFFE0];
	s16 =	sor.u32 $0x4000, s14  }
0x32: {  	s31 =	sshrl.u32 s15, $0x2;
	s15 =	sadd.s32 $0x0, s16  }
0x33: {  	s17 =	simm.s32 $0x4;
	s18 =	sadd.s32 $0x40, s18;
	s14 =	sor.u32 $0x4000, s31;
	[tilespmem:s15+$0x1830 ss:$0x81] =	vst.msk $0xffff, v3  }
.LBB1_3:
0x34: {  	v3 =	vld [tilespmem:s18+$0x10];
	p1 =	sne.s32 s17, $0x1FC;
	[tilespmem:s15+$0x810 ss:$0x81] =	vst.msk $0xffff, v2;
	s19 =	smov.u32 s17;
	s17 =	sadd.s32 $0x4, s17  }
.Ltmp3:
0x35: {  	v2 =	vld [tilespmem:s18+$0xFFFFFFF0];
	[tilespmem:s15+$0x1020 ss:$0x81] =	vst.msk $0xffff, v0;
	(pc) =	sbr.rel @p1 .LBB1_3-.Ltmp3, $4  }
0x36: {  	v0 =	vld [tilespmem:s18+$0x0];
	[tilespmem:s15+$0x0 ss:$0x81] =	vst.msk $0xffff, v1  }
0x37: {  	s15 =	sshra.s32 s19, $0x2;
	v1 =	vld [tilespmem:s18+$0xFFFFFFE0]  }
0x38: {  	s15 =	sadd.s32 s15, s16  }
0x39: {  	s18 =	sadd.s32 $0x40, s18;
	[tilespmem:s15+$0x1830 ss:$0x81] =	vst.msk $0xffff, v3  }
.Ltmp4:
0x3a: {  	_ = 	snop;
	(pc) =	sbr.rel .LBB1_4-.Ltmp4, $1  }
0x3b: {  	_ =	sdelay $0x3  }
.LBB1_6:
0x3c: {  	_ =	sfence.sel $0x180000  }
0x3d: {  	s2 =	simm.s32 $0x1;
	[bflag:$0x0] =	sbarrier.arrive $0xFFFF  }
0x3e: {  	s31 =	simm.s32 $0x2;
	[sflag:s2] =	ssyncpa.u1 $0x1  }
0x3f: {  	[sflag:s31] =	ssyncpa.u1 $0x1  }
0x40: {  	p0 =	sne.s32 s0, $0x0;
	_ =	strace $0x9000004A  }
0x41: {  	s0 =	sadd.s32 @!p0 $0x100000, s1;
	[bflag:$0x2] =	sbarrier.arrive $0xFFFF  }
0x42: {  	[sflag:s0] =	ssyncadd.tile.s32 @!p0 $0x1;
	_ =	shalt  }
.Lfunc_end1:
_tile_overlayer_lowered:
.L_overlay_start_2:
0x43: {  	(tag) =	ssettag $0x2  }
0x44: {  	s0 =	rddreg [dreg:$0x0];
	s2 =	stileid.u32  }
0x45: {  	s1 =	rddreg [dreg:$0x1];
	p0 =	sne.s32 s2, $0x0  }
0x46: {  	s3 =	rddreg [dreg:$0x2];
	[bflag:$0x3] =	sbarrier.arrive $0xFFFF;
	s2 =	simm.s32 @!p0 $0x1C01  }
0x47: {  	[timem:s3], [sflag:s2] =	dma.local @!p0 [hbm:s0], s1  }
0x48: {  	s0 =	simm.s32 @!p0 $0x1  }
0x49: {  	_ =	swait.ge @!p0 [sflag:s0], s1  }
0x4a: {  	s1 =	ssub.s32 @!p0 $0x0, s1;
	[sflag:s0] =	ssyncset.done @!p0 $0x0  }
0x4b: {  	[sflag:s0] =	ssyncadd.s32 @!p0 s1  }
0x4c: {  	[bflag:$0x3] =	sbarrier.arrive $0xFFFF  }
0x4d: {  	_ =	shalt  }

</sc_bundles>
